<compile_context>
chip_gen: v7x
topology: tpu7x:2x2x1
jax: 0.10.2.dev20260603
libtpu: 0.0.44.dev20260713+nightly
codegen_flags: <defaults>
</compile_context>

<pallas_src>
import functools

import jax
import jax.numpy as jnp
from jax import lax
from jax.experimental import pallas as pl
from jax.experimental.pallas import tpu as pltpu
from jax.experimental.pallas import tpu_sc as plsc

B = 16384
N_FIELDS = 26
VOCAB = 100000
EMBED_DIM = 64
N_DENSE = 13
H1 = 1024
H2 = 512
EIN = N_FIELDS * EMBED_DIM

NW = 32
CHUNK = 128
RPW = B // NW
CPF = RPW // CHUNK
NCH = N_FIELDS * CPF
IPW = N_FIELDS * RPW


def _gather_body(xvt_hbm, table_hbm, out_hbm, idx_fm, rows_v, gsem, wsem):
    wid = lax.axis_index("c") * 16 + lax.axis_index("s")
    b0w = wid * RPW

    pltpu.sync_copy(xvt_hbm.at[:, pl.ds(b0w, RPW)], idx_fm)

    def to_super(j, _):
        for f in range(N_FIELDS):
            v = idx_fm[f, pl.ds(j * 16, 16)]
            idx_fm[f, pl.ds(j * 16, 16)] = lax.shift_right_logical(v, 1)
        return 0

    lax.fori_loop(0, RPW // 16, to_super, 0)

    def chunk_src(c):
        f = c // CPF
        b0 = (c % CPF) * CHUNK
        return f, b0

    def start_gather(c, slot):
        f, b0 = chunk_src(c)
        pltpu.async_copy(
            table_hbm.at[f].at[idx_fm.at[f, pl.ds(b0, CHUNK)]],
            rows_v.at[slot],
            gsem.at[slot])

    def start_writeback(c, slot):
        f, b0 = chunk_src(c)
        pltpu.async_copy(
            rows_v.at[slot],
            out_hbm.at[f, pl.ds(b0w + b0, CHUNK), :],
            wsem.at[slot])

    def wait(sem, slot):
        pltpu.make_async_copy(
            out_hbm.at[0, pl.ds(0, CHUNK), :], rows_v.at[slot],
            sem.at[slot]
        ).wait()

    start_gather(0, 0)

    def step(c, _):
        slot = lax.rem(c, 2)
        nslot = 1 - slot
        @pl.when(c + 1 < NCH)
        def _():
            @pl.when(c + 1 >= 2)
            def _():
                wait(wsem, nslot)
            start_gather(c + 1, nslot)
        wait(gsem, slot)
        start_writeback(c, slot)
        return 0

    lax.fori_loop(0, NCH, step, 0)
    wait(wsem, 0)
    wait(wsem, 1)


_gather = functools.partial(
    pl.kernel,
    mesh=plsc.VectorSubcoreMesh(core_axis_name="c", subcore_axis_name="s"),
    out_type=jax.ShapeDtypeStruct((N_FIELDS, B, 2 * EMBED_DIM), jnp.float32),
    scratch_types=[
        pltpu.VMEM((N_FIELDS, RPW), jnp.int32),
        pltpu.VMEM((2, CHUNK, 2 * EMBED_DIM), jnp.float32),
        pltpu.SemaphoreType.DMA((2,)),
        pltpu.SemaphoreType.DMA((2,)),
    ],
)(_gather_body)


BB = 512


def _mlp_body(xi_ref, emb_ref, par_ref, w1d_ref, w1e_ref, b1_ref, w2_ref,
              b2_ref, w3_ref, b3_ref, o_ref):
    fields = []
    for f in range(N_FIELDS):
        pair = emb_ref[f]
        sel = jnp.where(par_ref[:, f:f + 1] > 0.5,
                        pair[:, EMBED_DIM:], pair[:, :EMBED_DIM])
        fields.append(sel.astype(jnp.bfloat16))
    x = jnp.concatenate(fields, axis=-1)
    h1 = jnp.dot(x, w1e_ref[...], preferred_element_type=jnp.float32)
    h1 = h1 + jnp.dot(xi_ref[...], w1d_ref[...], preferred_element_type=jnp.float32)
    h1 = jnp.maximum(h1 + b1_ref[...], 0.0).astype(jnp.bfloat16)
    h2 = jnp.dot(h1, w2_ref[...], preferred_element_type=jnp.float32)
    h2 = jnp.maximum(h2 + b2_ref[...], 0.0).astype(jnp.bfloat16)
    y = jnp.dot(h2, w3_ref[...], preferred_element_type=jnp.float32) + b3_ref[...]
    o_ref[...] = jax.nn.sigmoid(y)


def kernel(xi, xv, emb_tables, W1, b1, W2, b2, W3, b3):
    xvi = xv.astype(jnp.int32)
    xvt = xvi.T
    table3 = emb_tables.reshape(N_FIELDS, VOCAB // 2, 2 * EMBED_DIM)

    emb_pairs = _gather(xvt, table3)
    parity = (xvi & 1).astype(jnp.float32)

    W1d = W1[:N_DENSE].astype(jnp.bfloat16)
    W1e = W1[N_DENSE:].astype(jnp.bfloat16)
    W2h = W2.astype(jnp.bfloat16)
    W3h = W3.astype(jnp.bfloat16)
    xih = xi.astype(jnp.bfloat16)

    out = pl.pallas_call(
        _mlp_body,
        grid=(B // BB,),
        in_specs=[
            pl.BlockSpec((BB, N_DENSE), lambda i: (i, 0)),
            pl.BlockSpec((N_FIELDS, BB, 2 * EMBED_DIM), lambda i: (0, i, 0)),
            pl.BlockSpec((BB, N_FIELDS), lambda i: (i, 0)),
            pl.BlockSpec((N_DENSE, H1), lambda i: (0, 0)),
            pl.BlockSpec((EIN, H1), lambda i: (0, 0)),
            pl.BlockSpec((1, H1), lambda i: (0, 0)),
            pl.BlockSpec((H1, H2), lambda i: (0, 0)),
            pl.BlockSpec((1, H2), lambda i: (0, 0)),
            pl.BlockSpec((H2, 1), lambda i: (0, 0)),
            pl.BlockSpec((1, 1), lambda i: (0, 0)),
        ],
        out_specs=pl.BlockSpec((BB, 1), lambda i: (i, 0)),
        out_shape=jax.ShapeDtypeStruct((B, 1), jnp.float32),
    )(xih, emb_pairs, parity, W1d, W1e, b1.reshape(1, H1), W2h,
      b2.reshape(1, H2), W3h, b3.reshape(1, 1))
    return out

# --- scband reference (transcript-rebuilt; emitter-appended) ---
"""Pipeline reference for scband-embedding-mlp-72988674228871 (READ-ONLY COPY).

The authoritative reference and input builder live on the scoring server;
editing this copy changes nothing except your own understanding.
"""

import jax, jax.numpy as jnp
import numpy as np

B = 16384
N_FIELDS = 26
VOCAB = 100000
EMBED_DIM = 64
N_DENSE = 13
H1 = 1024
H2 = 512
IN_DIM = N_FIELDS * EMBED_DIM + N_DENSE


def setup_inputs(seed: int = 0) -> dict:
    key = jax.random.key(seed)
    ks = jax.random.split(key, 10)
    xi = jax.random.normal(ks[0], (B, N_DENSE), dtype=jnp.float32)
    xv = jax.random.randint(ks[1], (B, N_FIELDS), 0, VOCAB, dtype=jnp.int64 if jax.config.jax_enable_x64 else jnp.int32)
    # 26 embedding tables, stacked: [n_fields, vocab, embed_dim]
    emb_tables = jax.random.normal(ks[2], (N_FIELDS, VOCAB, EMBED_DIM), dtype=jnp.float32) * 0.01
    # MLP params (torch nn.Linear: y = x @ W.T + b; here we store W already transposed)
    lim1 = 1.0 / np.sqrt(IN_DIM)
    W1 = jax.random.uniform(ks[3], (IN_DIM, H1), minval=-lim1, maxval=lim1, dtype=jnp.float32)
    b1 = jax.random.uniform(ks[4], (H1,), minval=-lim1, maxval=lim1, dtype=jnp.float32)
    lim2 = 1.0 / np.sqrt(H1)
    W2 = jax.random.uniform(ks[5], (H1, H2), minval=-lim2, maxval=lim2, dtype=jnp.float32)
    b2 = jax.random.uniform(ks[6], (H2,), minval=-lim2, maxval=lim2, dtype=jnp.float32)
    lim3 = 1.0 / np.sqrt(H2)
    W3 = jax.random.uniform(ks[7], (H2, 1), minval=-lim3, maxval=lim3, dtype=jnp.float32)
    b3 = jax.random.uniform(ks[8], (1,), minval=-lim3, maxval=lim3, dtype=jnp.float32)
    return {"xi": xi, "xv": xv, "emb_tables": emb_tables, "W1": W1, "b1": b1, "W2": W2, "b2": b2, "W3": W3, "b3": b3}


def reference(xi, xv, emb_tables, W1, b1, W2, b2, W3, b3):
    # per-field embedding lookup: field i uses table i with indices xv[:, i]
    field_idx = jnp.arange(N_FIELDS)[None, :]  # [1, n_fields], broadcasts vs xv [B, n_fields]
    embed = emb_tables[field_idx, xv]          # [B, n_fields, embed_dim]
    embed_flat = embed.reshape(embed.shape[0], N_FIELDS * EMBED_DIM)
    x = jnp.concatenate([xi, embed_flat], axis=1)
    x = jax.nn.relu(x @ W1 + b1)
    x = jax.nn.relu(x @ W2 + b2)
    x = jax.nn.sigmoid(x @ W3 + b3)
    return x

if __name__ == "__main__":
    import jax
    _d = setup_inputs()
    print(jax.jit(kernel)(*tuple(_d.values())))

</pallas_src>

<mosaic_0001>
#map = affine_map<(d0, d1) -> (0, 0)>
#map1 = affine_map<(d0, d1) -> (0, 0, 0)>
module attributes {stable_mosaic.version = 14 : i64} {
  func.func @_gather_body(%arg0: i32, %arg1: i32, %arg2: memref<26x16384xi32, #tpu.memory_space<hbm>>, %arg3: memref<26x50000x128xf32, #tpu.memory_space<hbm>>, %arg4: memref<26x16384x128xf32, #tpu.memory_space<hbm>>, %arg5: memref<26x512xi32, #tpu.memory_space<vmem>>, %arg6: memref<2x128x128xf32, #tpu.memory_space<vmem>>, %arg7: memref<2x!tpu.dma_semaphore, #tpu.memory_space<semaphore_mem>>, %arg8: memref<2x!tpu.dma_semaphore, #tpu.memory_space<semaphore_mem>>) attributes {dimension_semantics = [#tpu.dimension_semantics<core_parallel>, #tpu.dimension_semantics<subcore_parallel>], iteration_bounds = array<i64: 2, 16>, scalar_prefetch = 0 : i64, scratch_operands = 4 : i64, tpu.core_type = #tpu.core_type<sc_vector_subcore>, window_params = [{transform_indices = #map}, {transform_indices = #map1}, {transform_indices = #map1}]} {
    %mul3A = arith.constant 16 : i32
    %mul3A_0 = arith.muli %arg0, %mul3A : i32
    %add3A = arith.addi %mul3A_0, %arg1 : i32
    %mul3A_1 = arith.constant 512 : i32
    %mul3A_2 = arith.muli %add3A, %mul3A_1 : i32
    "tpu.region"() ({
      %run_scoped3A = tpu.sem_alloc : memref<!tpu.dma_semaphore, #tpu.memory_space<semaphore_mem>>
      %dma_start3A_76 = arith.constant 0 : i32
      %dma_start3A_77 = tpu.memref_slice %arg2[%dma_start3A_76, %mul3A_2] : memref<26x16384xi32, #tpu.memory_space<hbm>> -> memref<26x512xi32, #tpu.memory_space<hbm>>
      %dma_start3A_78 = arith.constant 0 : i32
      %dma_start3A_79 = tpu.memref_slice %arg2[%dma_start3A_78, %mul3A_2] : memref<26x16384xi32, #tpu.memory_space<hbm>> -> memref<26x512xi32, #tpu.memory_space<hbm>>
      tpu.enqueue_dma source(%dma_start3A_79 : memref<26x512xi32, #tpu.memory_space<hbm>>) target(%arg5 : memref<26x512xi32, #tpu.memory_space<vmem>>) target_semaphore(%run_scoped3A : memref<!tpu.dma_semaphore, #tpu.memory_space<semaphore_mem>>)
      %dma_wait3A_80 = arith.constant 0 : i32
      %dma_wait3A_81 = tpu.memref_slice %arg2[%dma_wait3A_80, %mul3A_2] : memref<26x16384xi32, #tpu.memory_space<hbm>> -> memref<26x512xi32, #tpu.memory_space<hbm>>
      %dma_wait3A_82 = arith.constant 0 : i32
      %dma_wait3A_83 = tpu.memref_slice %arg2[%dma_wait3A_82, %mul3A_2] : memref<26x16384xi32, #tpu.memory_space<hbm>> -> memref<26x512xi32, #tpu.memory_space<hbm>>
      tpu.wait_dma2 semaphore(%run_scoped3A : memref<!tpu.dma_semaphore, #tpu.memory_space<semaphore_mem>>) src(%dma_wait3A_83 : memref<26x512xi32, #tpu.memory_space<hbm>>) dst(%arg5 : memref<26x512xi32, #tpu.memory_space<vmem>>)
      tpu.yield
    }) : () -> ()
    %scan3A = arith.constant 0 : i32
    %scan3A_3 = arith.constant 0 : i32
    %scan3A_4 = arith.constant 32 : i32
    %scan3A_5 = arith.addi %scan3A_3, %scan3A_4 : i32
    %scan3A_6 = arith.constant 1 : i32
    %scan3A_7 = scf.for %scan3A_76 = %scan3A_3 to %scan3A_5 step %scan3A_6 iter_args(%scan3A_77 = %scan3A) -> (i32)  : i32 {
      %mul3A_78 = arith.constant 16 : i32
      %mul3A_79 = arith.muli %scan3A_76, %mul3A_78 : i32
      %get3A = arith.constant 0 : i32
      %get3A_80 = arith.index_cast %get3A : i32 to index
      %get3A_81 = arith.index_cast %mul3A_79 : i32 to index
      %get3A_82 = tpu.vector_load %arg5[%get3A_80, %get3A_81] {strides = array<i32>} : memref<26x512xi32, #tpu.memory_space<vmem>>, vector<1x16xi32>,
      %get3A_83 = vector.shape_cast %get3A_82 : vector<1x16xi32> to vector<16xi32>
      %shift_right_logical3A = arith.constant 1 : i32
      %shift_right_logical3A_84 = vector.broadcast %shift_right_logical3A : i32 to vector<16xi32>
      %shift_right_logical3A_85 = arith.shrui %get3A_83, %shift_right_logical3A_84 : vector<16xi32>
      %mul3A_86 = arith.constant 16 : i32
      %mul3A_87 = arith.muli %scan3A_76, %mul3A_86 : i32
      %swap3A = arith.constant 0 : i32
      %swap3A_88 = arith.index_cast %swap3A : i32 to index
      %swap3A_89 = arith.index_cast %mul3A_87 : i32 to index
      %swap3A_90 = tpu.vector_load %arg5[%swap3A_88, %swap3A_89] {strides = array<i32>} : memref<26x512xi32, #tpu.memory_space<vmem>>, vector<1x16xi32>,
      %swap3A_91 = vector.shape_cast %swap3A_90 : vector<1x16xi32> to vector<16xi32>
      %swap3A_92 = vector.shape_cast %shift_right_logical3A_85 : vector<16xi32> to vector<1x16xi32>
      tpu.vector_store %arg5[%swap3A_88, %swap3A_89], %swap3A_92 {strides = array<i32>} : memref<26x512xi32, #tpu.memory_space<vmem>>, vector<1x16xi32>,
      %mul3A_93 = arith.constant 16 : i32
      %mul3A_94 = arith.muli %scan3A_76, %mul3A_93 : i32
      %get3A_95 = arith.constant 1 : i32
      %get3A_96 = arith.index_cast %get3A_95 : i32 to index
      %get3A_97 = arith.index_cast %mul3A_94 : i32 to index
      %get3A_98 = tpu.vector_load %arg5[%get3A_96, %get3A_97] {strides = array<i32>} : memref<26x512xi32, #tpu.memory_space<vmem>>, vector<1x16xi32>,
      %get3A_99 = vector.shape_cast %get3A_98 : vector<1x16xi32> to vector<16xi32>
      %shift_right_logical3A_100 = arith.constant 1 : i32
      %shift_right_logical3A_101 = vector.broadcast %shift_right_logical3A_100 : i32 to vector<16xi32>
      %shift_right_logical3A_102 = arith.shrui %get3A_99, %shift_right_logical3A_101 : vector<16xi32>
      %mul3A_103 = arith.constant 16 : i32
      %mul3A_104 = arith.muli %scan3A_76, %mul3A_103 : i32
      %swap3A_105 = arith.constant 1 : i32
      %swap3A_106 = arith.index_cast %swap3A_105 : i32 to index
      %swap3A_107 = arith.index_cast %mul3A_104 : i32 to index
      %swap3A_108 = tpu.vector_load %arg5[%swap3A_106, %swap3A_107] {strides = array<i32>} : memref<26x512xi32, #tpu.memory_space<vmem>>, vector<1x16xi32>,
      %swap3A_109 = vector.shape_cast %swap3A_108 : vector<1x16xi32> to vector<16xi32>
      %swap3A_110 = vector.shape_cast %shift_right_logical3A_102 : vector<16xi32> to vector<1x16xi32>
      tpu.vector_store %arg5[%swap3A_106, %swap3A_107], %swap3A_110 {strides = array<i32>} : memref<26x512xi32, #tpu.memory_space<vmem>>, vector<1x16xi32>,
      %mul3A_111 = arith.constant 16 : i32
      %mul3A_112 = arith.muli %scan3A_76, %mul3A_111 : i32
      %get3A_113 = arith.constant 2 : i32
      %get3A_114 = arith.index_cast %get3A_113 : i32 to index
      %get3A_115 = arith.index_cast %mul3A_112 : i32 to index
      %get3A_116 = tpu.vector_load %arg5[%get3A_114, %get3A_115] {strides = array<i32>} : memref<26x512xi32, #tpu.memory_space<vmem>>, vector<1x16xi32>,
      %get3A_117 = vector.shape_cast %get3A_116 : vector<1x16xi32> to vector<16xi32>
      %shift_right_logical3A_118 = arith.constant 1 : i32
      %shift_right_logical3A_119 = vector.broadcast %shift_right_logical3A_118 : i32 to vector<16xi32>
      %shift_right_logical3A_120 = arith.shrui %get3A_117, %shift_right_logical3A_119 : vector<16xi32>
      %mul3A_121 = arith.constant 16 : i32
      %mul3A_122 = arith.muli %scan3A_76, %mul3A_121 : i32
      %swap3A_123 = arith.constant 2 : i32
      %swap3A_124 = arith.index_cast %swap3A_123 : i32 to index
      %swap3A_125 = arith.index_cast %mul3A_122 : i32 to index
      %swap3A_126 = tpu.vector_load %arg5[%swap3A_124, %swap3A_125] {strides = array<i32>} : memref<26x512xi32, #tpu.memory_space<vmem>>, vector<1x16xi32>,
      %swap3A_127 = vector.shape_cast %swap3A_126 : vector<1x16xi32> to vector<16xi32>
      %swap3A_128 = vector.shape_cast %shift_right_logical3A_120 : vector<16xi32> to vector<1x16xi32>
      tpu.vector_store %arg5[%swap3A_124, %swap3A_125], %swap3A_128 {strides = array<i32>} : memref<26x512xi32, #tpu.memory_space<vmem>>, vector<1x16xi32>,
      %mul3A_129 = arith.constant 16 : i32
      %mul3A_130 = arith.muli %scan3A_76, %mul3A_129 : i32
      %get3A_131 = arith.constant 3 : i32
      %get3A_132 = arith.index_cast %get3A_131 : i32 to index
      %get3A_133 = arith.index_cast %mul3A_130 : i32 to index
      %get3A_134 = tpu.vector_load %arg5[%get3A_132, %get3A_133] {strides = array<i32>} : memref<26x512xi32, #tpu.memory_space<vmem>>, vector<1x16xi32>,
      %get3A_135 = vector.shape_cast %get3A_134 : vector<1x16xi32> to vector<16xi32>
      %shift_right_logical3A_136 = arith.constant 1 : i32
      %shift_right_logical3A_137 = vector.broadcast %shift_right_logical3A_136 : i32 to vector<16xi32>
      %shift_right_logical3A_138 = arith.shrui %get3A_135, %shift_right_logical3A_137 : vector<16xi32>
      %mul3A_139 = arith.constant 16 : i32
      %mul3A_140 = arith.muli %scan3A_76, %mul3A_139 : i32
      %swap3A_141 = arith.constant 3 : i32
      %swap3A_142 = arith.index_cast %swap3A_141 : i32 to index
      %swap3A_143 = arith.index_cast %mul3A_140 : i32 to index
      %swap3A_144 = tpu.vector_load %arg5[%swap3A_142, %swap3A_143] {strides = array<i32>} : memref<26x512xi32, #tpu.memory_space<vmem>>, vector<1x16xi32>,
      %swap3A_145 = vector.shape_cast %swap3A_144 : vector<1x16xi32> to vector<16xi32>
      %swap3A_146 = vector.shape_cast %shift_right_logical3A_138 : vector<16xi32> to vector<1x16xi32>
      tpu.vector_store %arg5[%swap3A_142, %swap3A_143], %swap3A_146 {strides = array<i32>} : memref<26x512xi32, #tpu.memory_space<vmem>>, vector<1x16xi32>,
      %mul3A_147 = arith.constant 16 : i32
      %mul3A_148 = arith.muli %scan3A_76, %mul3A_147 : i32
      %get3A_149 = arith.constant 4 : i32
      %get3A_150 = arith.index_cast %get3A_149 : i32 to index
      %get3A_151 = arith.index_cast %mul3A_148 : i32 to index
      %get3A_152 = tpu.vector_load %arg5[%get3A_150, %get3A_151] {strides = array<i32>} : memref<26x512xi32, #tpu.memory_space<vmem>>, vector<1x16xi32>,
      %get3A_153 = vector.shape_cast %get3A_152 : vector<1x16xi32> to vector<16xi32>
      %shift_right_logical3A_154 = arith.constant 1 : i32
      %shift_right_logical3A_155 = vector.broadcast %shift_right_logical3A_154 : i32 to vector<16xi32>
      %shift_right_logical3A_156 = arith.shrui %get3A_153, %shift_right_logical3A_155 : vector<16xi32>
      %mul3A_157 = arith.constant 16 : i32
      %mul3A_158 = arith.muli %scan3A_76, %mul3A_157 : i32
      %swap3A_159 = arith.constant 4 : i32
      %swap3A_160 = arith.index_cast %swap3A_159 : i32 to index
      %swap3A_161 = arith.index_cast %mul3A_158 : i32 to index
      %swap3A_162 = tpu.vector_load %arg5[%swap3A_160, %swap3A_161] {strides = array<i32>} : memref<26x512xi32, #tpu.memory_space<vmem>>, vector<1x16xi32>,
      %swap3A_163 = vector.shape_cast %swap3A_162 : vector<1x16xi32> to vector<16xi32>
      %swap3A_164 = vector.shape_cast %shift_right_logical3A_156 : vector<16xi32> to vector<1x16xi32>
      tpu.vector_store %arg5[%swap3A_160, %swap3A_161], %swap3A_164 {strides = array<i32>} : memref<26x512xi32, #tpu.memory_space<vmem>>, vector<1x16xi32>,
      %mul3A_165 = arith.constant 16 : i32
      %mul3A_166 = arith.muli %scan3A_76, %mul3A_165 : i32
      %get3A_167 = arith.constant 5 : i32
      %get3A_168 = arith.index_cast %get3A_167 : i32 to index
      %get3A_169 = arith.index_cast %mul3A_166 : i32 to index
      %get3A_170 = tpu.vector_load %arg5[%get3A_168, %get3A_169] {strides = array<i32>} : memref<26x512xi32, #tpu.memory_space<vmem>>, vector<1x16xi32>,
      %get3A_171 = vector.shape_cast %get3A_170 : vector<1x16xi32> to vector<16xi32>
      %shift_right_logical3A_172 = arith.constant 1 : i32
      %shift_right_logical3A_173 = vector.broadcast %shift_right_logical3A_172 : i32 to vector<16xi32>
      %shift_right_logical3A_174 = arith.shrui %get3A_171, %shift_right_logical3A_173 : vector<16xi32>
      %mul3A_175 = arith.constant 16 : i32
      %mul3A_176 = arith.muli %scan3A_76, %mul3A_175 : i32
      %swap3A_177 = arith.constant 5 : i32
      %swap3A_178 = arith.index_cast %swap3A_177 : i32 to index
      %swap3A_179 = arith.index_cast %mul3A_176 : i32 to index
      %swap3A_180 = tpu.vector_load %arg5[%swap3A_178, %swap3A_179] {strides = array<i32>} : memref<26x512xi32, #tpu.memory_space<vmem>>, vector<1x16xi32>,
      %swap3A_181 = vector.shape_cast %swap3A_180 : vector<1x16xi32> to vector<16xi32>
      %swap3A_182 = vector.shape_cast %shift_right_logical3A_174 : vector<16xi32> to vector<1x16xi32>
      tpu.vector_store %arg5[%swap3A_178, %swap3A_179], %swap3A_182 {strides = array<i32>} : memref<26x512xi32, #tpu.memory_space<vmem>>, vector<1x16xi32>,
      %mul3A_183 = arith.constant 16 : i32
      %mul3A_184 = arith.muli %scan3A_76, %mul3A_183 : i32
      %get3A_185 = arith.constant 6 : i32
      %get3A_186 = arith.index_cast %get3A_185 : i32 to index
      %get3A_187 = arith.index_cast %mul3A_184 : i32 to index
      %get3A_188 = tpu.vector_load %arg5[%get3A_186, %get3A_187] {strides = array<i32>} : memref<26x512xi32, #tpu.memory_space<vmem>>, vector<1x16xi32>,
      %get3A_189 = vector.shape_cast %get3A_188 : vector<1x16xi32> to vector<16xi32>
      %shift_right_logical3A_190 = arith.constant 1 : i32
      %shift_right_logical3A_191 = vector.broadcast %shift_right_logical3A_190 : i32 to vector<16xi32>
      %shift_right_logical3A_192 = arith.shrui %get3A_189, %shift_right_logical3A_191 : vector<16xi32>
      %mul3A_193 = arith.constant 16 : i32
      %mul3A_194 = arith.muli %scan3A_76, %mul3A_193 : i32
      %swap3A_195 = arith.constant 6 : i32
      %swap3A_196 = arith.index_cast %swap3A_195 : i32 to index
      %swap3A_197 = arith.index_cast %mul3A_194 : i32 to index
      %swap3A_198 = tpu.vector_load %arg5[%swap3A_196, %swap3A_197] {strides = array<i32>} : memref<26x512xi32, #tpu.memory_space<vmem>>, vector<1x16xi32>,
      %swap3A_199 = vector.shape_cast %swap3A_198 : vector<1x16xi32> to vector<16xi32>
      %swap3A_200 = vector.shape_cast %shift_right_logical3A_192 : vector<16xi32> to vector<1x16xi32>
      tpu.vector_store %arg5[%swap3A_196, %swap3A_197], %swap3A_200 {strides = array<i32>} : memref<26x512xi32, #tpu.memory_space<vmem>>, vector<1x16xi32>,
      %mul3A_201 = arith.constant 16 : i32
      %mul3A_202 = arith.muli %scan3A_76, %mul3A_201 : i32
      %get3A_203 = arith.constant 7 : i32
      %get3A_204 = arith.index_cast %get3A_203 : i32 to index
      %get3A_205 = arith.index_cast %mul3A_202 : i32 to index
      %get3A_206 = tpu.vector_load %arg5[%get3A_204, %get3A_205] {strides = array<i32>} : memref<26x512xi32, #tpu.memory_space<vmem>>, vector<1x16xi32>,
      %get3A_207 = vector.shape_cast %get3A_206 : vector<1x16xi32> to vector<16xi32>
      %shift_right_logical3A_208 = arith.constant 1 : i32
      %shift_right_logical3A_209 = vector.broadcast %shift_right_logical3A_208 : i32 to vector<16xi32>
      %shift_right_logical3A_210 = arith.shrui %get3A_207, %shift_right_logical3A_209 : vector<16xi32>
      %mul3A_211 = arith.constant 16 : i32
      %mul3A_212 = arith.muli %scan3A_76, %mul3A_211 : i32
      %swap3A_213 = arith.constant 7 : i32
      %swap3A_214 = arith.index_cast %swap3A_213 : i32 to index
      %swap3A_215 = arith.index_cast %mul3A_212 : i32 to index
      %swap3A_216 = tpu.vector_load %arg5[%swap3A_214, %swap3A_215] {strides = array<i32>} : memref<26x512xi32, #tpu.memory_space<vmem>>, vector<1x16xi32>,
      %swap3A_217 = vector.shape_cast %swap3A_216 : vector<1x16xi32> to vector<16xi32>
      %swap3A_218 = vector.shape_cast %shift_right_logical3A_210 : vector<16xi32> to vector<1x16xi32>
      tpu.vector_store %arg5[%swap3A_214, %swap3A_215], %swap3A_218 {strides = array<i32>} : memref<26x512xi32, #tpu.memory_space<vmem>>, vector<1x16xi32>,
      %mul3A_219 = arith.constant 16 : i32
      %mul3A_220 = arith.muli %scan3A_76, %mul3A_219 : i32
      %get3A_221 = arith.constant 8 : i32
      %get3A_222 = arith.index_cast %get3A_221 : i32 to index
      %get3A_223 = arith.index_cast %mul3A_220 : i32 to index
      %get3A_224 = tpu.vector_load %arg5[%get3A_222, %get3A_223] {strides = array<i32>} : memref<26x512xi32, #tpu.memory_space<vmem>>, vector<1x16xi32>,
      %get3A_225 = vector.shape_cast %get3A_224 : vector<1x16xi32> to vector<16xi32>
      %shift_right_logical3A_226 = arith.constant 1 : i32
      %shift_right_logical3A_227 = vector.broadcast %shift_right_logical3A_226 : i32 to vector<16xi32>
      %shift_right_logical3A_228 = arith.shrui %get3A_225, %shift_right_logical3A_227 : vector<16xi32>
      %mul3A_229 = arith.constant 16 : i32
      %mul3A_230 = arith.muli %scan3A_76, %mul3A_229 : i32
      %swap3A_231 = arith.constant 8 : i32
      %swap3A_232 = arith.index_cast %swap3A_231 : i32 to index
      %swap3A_233 = arith.index_cast %mul3A_230 : i32 to index
      %swap3A_234 = tpu.vector_load %arg5[%swap3A_232, %swap3A_233] {strides = array<i32>} : memref<26x512xi32, #tpu.memory_space<vmem>>, vector<1x16xi32>,
      %swap3A_235 = vector.shape_cast %swap3A_234 : vector<1x16xi32> to vector<16xi32>
      %swap3A_236 = vector.shape_cast %shift_right_logical3A_228 : vector<16xi32> to vector<1x16xi32>
      tpu.vector_store %arg5[%swap3A_232, %swap3A_233], %swap3A_236 {strides = array<i32>} : memref<26x512xi32, #tpu.memory_space<vmem>>, vector<1x16xi32>,
      %mul3A_237 = arith.constant 16 : i32
      %mul3A_238 = arith.muli %scan3A_76, %mul3A_237 : i32
      %get3A_239 = arith.constant 9 : i32
      %get3A_240 = arith.index_cast %get3A_239 : i32 to index
      %get3A_241 = arith.index_cast %mul3A_238 : i32 to index
      %get3A_242 = tpu.vector_load %arg5[%get3A_240, %get3A_241] {strides = array<i32>} : memref<26x512xi32, #tpu.memory_space<vmem>>, vector<1x16xi32>,
      %get3A_243 = vector.shape_cast %get3A_242 : vector<1x16xi32> to vector<16xi32>
      %shift_right_logical3A_244 = arith.constant 1 : i32
      %shift_right_logical3A_245 = vector.broadcast %shift_right_logical3A_244 : i32 to vector<16xi32>
      %shift_right_logical3A_246 = arith.shrui %get3A_243, %shift_right_logical3A_245 : vector<16xi32>
      %mul3A_247 = arith.constant 16 : i32
      %mul3A_248 = arith.muli %scan3A_76, %mul3A_247 : i32
      %swap3A_249 = arith.constant 9 : i32
      %swap3A_250 = arith.index_cast %swap3A_249 : i32 to index
      %swap3A_251 = arith.index_cast %mul3A_248 : i32 to index
      %swap3A_252 = tpu.vector_load %arg5[%swap3A_250, %swap3A_251] {strides = array<i32>} : memref<26x512xi32, #tpu.memory_space<vmem>>, vector<1x16xi32>,
      %swap3A_253 = vector.shape_cast %swap3A_252 : vector<1x16xi32> to vector<16xi32>
      %swap3A_254 = vector.shape_cast %shift_right_logical3A_246 : vector<16xi32> to vector<1x16xi32>
      tpu.vector_store %arg5[%swap3A_250, %swap3A_251], %swap3A_254 {strides = array<i32>} : memref<26x512xi32, #tpu.memory_space<vmem>>, vector<1x16xi32>,
      %mul3A_255 = arith.constant 16 : i32
      %mul3A_256 = arith.muli %scan3A_76, %mul3A_255 : i32
      %get3A_257 = arith.constant 10 : i32
      %get3A_258 = arith.index_cast %get3A_257 : i32 to index
      %get3A_259 = arith.index_cast %mul3A_256 : i32 to index
      %get3A_260 = tpu.vector_load %arg5[%get3A_258, %get3A_259] {strides = array<i32>} : memref<26x512xi32, #tpu.memory_space<vmem>>, vector<1x16xi32>,
      %get3A_261 = vector.shape_cast %get3A_260 : vector<1x16xi32> to vector<16xi32>
      %shift_right_logical3A_262 = arith.constant 1 : i32
      %shift_right_logical3A_263 = vector.broadcast %shift_right_logical3A_262 : i32 to vector<16xi32>
      %shift_right_logical3A_264 = arith.shrui %get3A_261, %shift_right_logical3A_263 : vector<16xi32>
      %mul3A_265 = arith.constant 16 : i32
      %mul3A_266 = arith.muli %scan3A_76, %mul3A_265 : i32
      %swap3A_267 = arith.constant 10 : i32
      %swap3A_268 = arith.index_cast %swap3A_267 : i32 to index
      %swap3A_269 = arith.index_cast %mul3A_266 : i32 to index
      %swap3A_270 = tpu.vector_load %arg5[%swap3A_268, %swap3A_269] {strides = array<i32>} : memref<26x512xi32, #tpu.memory_space<vmem>>, vector<1x16xi32>,
      %swap3A_271 = vector.shape_cast %swap3A_270 : vector<1x16xi32> to vector<16xi32>
      %swap3A_272 = vector.shape_cast %shift_right_logical3A_264 : vector<16xi32> to vector<1x16xi32>
      tpu.vector_store %arg5[%swap3A_268, %swap3A_269], %swap3A_272 {strides = array<i32>} : memref<26x512xi32, #tpu.memory_space<vmem>>, vector<1x16xi32>,
      %mul3A_273 = arith.constant 16 : i32
      %mul3A_274 = arith.muli %scan3A_76, %mul3A_273 : i32
      %get3A_275 = arith.constant 11 : i32
      %get3A_276 = arith.index_cast %get3A_275 : i32 to index
      %get3A_277 = arith.index_cast %mul3A_274 : i32 to index
      %get3A_278 = tpu.vector_load %arg5[%get3A_276, %get3A_277] {strides = array<i32>} : memref<26x512xi32, #tpu.memory_space<vmem>>, vector<1x16xi32>,
      %get3A_279 = vector.shape_cast %get3A_278 : vector<1x16xi32> to vector<16xi32>
      %shift_right_logical3A_280 = arith.constant 1 : i32
      %shift_right_logical3A_281 = vector.broadcast %shift_right_logical3A_280 : i32 to vector<16xi32>
      %shift_right_logical3A_282 = arith.shrui %get3A_279, %shift_right_logical3A_281 : vector<16xi32>
      %mul3A_283 = arith.constant 16 : i32
      %mul3A_284 = arith.muli %scan3A_76, %mul3A_283 : i32
      %swap3A_285 = arith.constant 11 : i32
      %swap3A_286 = arith.index_cast %swap3A_285 : i32 to index
      %swap3A_287 = arith.index_cast %mul3A_284 : i32 to index
      %swap3A_288 = tpu.vector_load %arg5[%swap3A_286, %swap3A_287] {strides = array<i32>} : memref<26x512xi32, #tpu.memory_space<vmem>>, vector<1x16xi32>,
      %swap3A_289 = vector.shape_cast %swap3A_288 : vector<1x16xi32> to vector<16xi32>
      %swap3A_290 = vector.shape_cast %shift_right_logical3A_282 : vector<16xi32> to vector<1x16xi32>
      tpu.vector_store %arg5[%swap3A_286, %swap3A_287], %swap3A_290 {strides = array<i32>} : memref<26x512xi32, #tpu.memory_space<vmem>>, vector<1x16xi32>,
      %mul3A_291 = arith.constant 16 : i32
      %mul3A_292 = arith.muli %scan3A_76, %mul3A_291 : i32
      %get3A_293 = arith.constant 12 : i32
      %get3A_294 = arith.index_cast %get3A_293 : i32 to index
      %get3A_295 = arith.index_cast %mul3A_292 : i32 to index
      %get3A_296 = tpu.vector_load %arg5[%get3A_294, %get3A_295] {strides = array<i32>} : memref<26x512xi32, #tpu.memory_space<vmem>>, vector<1x16xi32>,
      %get3A_297 = vector.shape_cast %get3A_296 : vector<1x16xi32> to vector<16xi32>
      %shift_right_logical3A_298 = arith.constant 1 : i32
      %shift_right_logical3A_299 = vector.broadcast %shift_right_logical3A_298 : i32 to vector<16xi32>
      %shift_right_logical3A_300 = arith.shrui %get3A_297, %shift_right_logical3A_299 : vector<16xi32>
      %mul3A_301 = arith.constant 16 : i32
      %mul3A_302 = arith.muli %scan3A_76, %mul3A_301 : i32
      %swap3A_303 = arith.constant 12 : i32
      %swap3A_304 = arith.index_cast %swap3A_303 : i32 to index
      %swap3A_305 = arith.index_cast %mul3A_302 : i32 to index
      %swap3A_306 = tpu.vector_load %arg5[%swap3A_304, %swap3A_305] {strides = array<i32>} : memref<26x512xi32, #tpu.memory_space<vmem>>, vector<1x16xi32>,
      %swap3A_307 = vector.shape_cast %swap3A_306 : vector<1x16xi32> to vector<16xi32>
      %swap3A_308 = vector.shape_cast %shift_right_logical3A_300 : vector<16xi32> to vector<1x16xi32>
      tpu.vector_store %arg5[%swap3A_304, %swap3A_305], %swap3A_308 {strides = array<i32>} : memref<26x512xi32, #tpu.memory_space<vmem>>, vector<1x16xi32>,
      %mul3A_309 = arith.constant 16 : i32
      %mul3A_310 = arith.muli %scan3A_76, %mul3A_309 : i32
      %get3A_311 = arith.constant 13 : i32
      %get3A_312 = arith.index_cast %get3A_311 : i32 to index
      %get3A_313 = arith.index_cast %mul3A_310 : i32 to index
      %get3A_314 = tpu.vector_load %arg5[%get3A_312, %get3A_313] {strides = array<i32>} : memref<26x512xi32, #tpu.memory_space<vmem>>, vector<1x16xi32>,
      %get3A_315 = vector.shape_cast %get3A_314 : vector<1x16xi32> to vector<16xi32>
      %shift_right_logical3A_316 = arith.constant 1 : i32
      %shift_right_logical3A_317 = vector.broadcast %shift_right_logical3A_316 : i32 to vector<16xi32>
      %shift_right_logical3A_318 = arith.shrui %get3A_315, %shift_right_logical3A_317 : vector<16xi32>
      %mul3A_319 = arith.constant 16 : i32
      %mul3A_320 = arith.muli %scan3A_76, %mul3A_319 : i32
      %swap3A_321 = arith.constant 13 : i32
      %swap3A_322 = arith.index_cast %swap3A_321 : i32 to index
      %swap3A_323 = arith.index_cast %mul3A_320 : i32 to index
      %swap3A_324 = tpu.vector_load %arg5[%swap3A_322, %swap3A_323] {strides = array<i32>} : memref<26x512xi32, #tpu.memory_space<vmem>>, vector<1x16xi32>,
      %swap3A_325 = vector.shape_cast %swap3A_324 : vector<1x16xi32> to vector<16xi32>
      %swap3A_326 = vector.shape_cast %shift_right_logical3A_318 : vector<16xi32> to vector<1x16xi32>
      tpu.vector_store %arg5[%swap3A_322, %swap3A_323], %swap3A_326 {strides = array<i32>} : memref<26x512xi32, #tpu.memory_space<vmem>>, vector<1x16xi32>,
      %mul3A_327 = arith.constant 16 : i32
      %mul3A_328 = arith.muli %scan3A_76, %mul3A_327 : i32
      %get3A_329 = arith.constant 14 : i32
      %get3A_330 = arith.index_cast %get3A_329 : i32 to index
      %get3A_331 = arith.index_cast %mul3A_328 : i32 to index
      %get3A_332 = tpu.vector_load %arg5[%get3A_330, %get3A_331] {strides = array<i32>} : memref<26x512xi32, #tpu.memory_space<vmem>>, vector<1x16xi32>,
      %get3A_333 = vector.shape_cast %get3A_332 : vector<1x16xi32> to vector<16xi32>
      %shift_right_logical3A_334 = arith.constant 1 : i32
      %shift_right_logical3A_335 = vector.broadcast %shift_right_logical3A_334 : i32 to vector<16xi32>
      %shift_right_logical3A_336 = arith.shrui %get3A_333, %shift_right_logical3A_335 : vector<16xi32>
      %mul3A_337 = arith.constant 16 : i32
      %mul3A_338 = arith.muli %scan3A_76, %mul3A_337 : i32
      %swap3A_339 = arith.constant 14 : i32
      %swap3A_340 = arith.index_cast %swap3A_339 : i32 to index
      %swap3A_341 = arith.index_cast %mul3A_338 : i32 to index
      %swap3A_342 = tpu.vector_load %arg5[%swap3A_340, %swap3A_341] {strides = array<i32>} : memref<26x512xi32, #tpu.memory_space<vmem>>, vector<1x16xi32>,
      %swap3A_343 = vector.shape_cast %swap3A_342 : vector<1x16xi32> to vector<16xi32>
      %swap3A_344 = vector.shape_cast %shift_right_logical3A_336 : vector<16xi32> to vector<1x16xi32>
      tpu.vector_store %arg5[%swap3A_340, %swap3A_341], %swap3A_344 {strides = array<i32>} : memref<26x512xi32, #tpu.memory_space<vmem>>, vector<1x16xi32>,
      %mul3A_345 = arith.constant 16 : i32
      %mul3A_346 = arith.muli %scan3A_76, %mul3A_345 : i32
      %get3A_347 = arith.constant 15 : i32
      %get3A_348 = arith.index_cast %get3A_347 : i32 to index
      %get3A_349 = arith.index_cast %mul3A_346 : i32 to index
      %get3A_350 = tpu.vector_load %arg5[%get3A_348, %get3A_349] {strides = array<i32>} : memref<26x512xi32, #tpu.memory_space<vmem>>, vector<1x16xi32>,
      %get3A_351 = vector.shape_cast %get3A_350 : vector<1x16xi32> to vector<16xi32>
      %shift_right_logical3A_352 = arith.constant 1 : i32
      %shift_right_logical3A_353 = vector.broadcast %shift_right_logical3A_352 : i32 to vector<16xi32>
      %shift_right_logical3A_354 = arith.shrui %get3A_351, %shift_right_logical3A_353 : vector<16xi32>
      %mul3A_355 = arith.constant 16 : i32
      %mul3A_356 = arith.muli %scan3A_76, %mul3A_355 : i32
      %swap3A_357 = arith.constant 15 : i32
      %swap3A_358 = arith.index_cast %swap3A_357 : i32 to index
      %swap3A_359 = arith.index_cast %mul3A_356 : i32 to index
      %swap3A_360 = tpu.vector_load %arg5[%swap3A_358, %swap3A_359] {strides = array<i32>} : memref<26x512xi32, #tpu.memory_space<vmem>>, vector<1x16xi32>,
      %swap3A_361 = vector.shape_cast %swap3A_360 : vector<1x16xi32> to vector<16xi32>
      %swap3A_362 = vector.shape_cast %shift_right_logical3A_354 : vector<16xi32> to vector<1x16xi32>
      tpu.vector_store %arg5[%swap3A_358, %swap3A_359], %swap3A_362 {strides = array<i32>} : memref<26x512xi32, #tpu.memory_space<vmem>>, vector<1x16xi32>,
      %mul3A_363 = arith.constant 16 : i32
      %mul3A_364 = arith.muli %scan3A_76, %mul3A_363 : i32
      %get3A_365 = arith.constant 16 : i32
      %get3A_366 = arith.index_cast %get3A_365 : i32 to index
      %get3A_367 = arith.index_cast %mul3A_364 : i32 to index
      %get3A_368 = tpu.vector_load %arg5[%get3A_366, %get3A_367] {strides = array<i32>} : memref<26x512xi32, #tpu.memory_space<vmem>>, vector<1x16xi32>,
      %get3A_369 = vector.shape_cast %get3A_368 : vector<1x16xi32> to vector<16xi32>
      %shift_right_logical3A_370 = arith.constant 1 : i32
      %shift_right_logical3A_371 = vector.broadcast %shift_right_logical3A_370 : i32 to vector<16xi32>
      %shift_right_logical3A_372 = arith.shrui %get3A_369, %shift_right_logical3A_371 : vector<16xi32>
      %mul3A_373 = arith.constant 16 : i32
      %mul3A_374 = arith.muli %scan3A_76, %mul3A_373 : i32
      %swap3A_375 = arith.constant 16 : i32
      %swap3A_376 = arith.index_cast %swap3A_375 : i32 to index
      %swap3A_377 = arith.index_cast %mul3A_374 : i32 to index
      %swap3A_378 = tpu.vector_load %arg5[%swap3A_376, %swap3A_377] {strides = array<i32>} : memref<26x512xi32, #tpu.memory_space<vmem>>, vector<1x16xi32>,
      %swap3A_379 = vector.shape_cast %swap3A_378 : vector<1x16xi32> to vector<16xi32>
      %swap3A_380 = vector.shape_cast %shift_right_logical3A_372 : vector<16xi32> to vector<1x16xi32>
      tpu.vector_store %arg5[%swap3A_376, %swap3A_377], %swap3A_380 {strides = array<i32>} : memref<26x512xi32, #tpu.memory_space<vmem>>, vector<1x16xi32>,
      %mul3A_381 = arith.constant 16 : i32
      %mul3A_382 = arith.muli %scan3A_76, %mul3A_381 : i32
      %get3A_383 = arith.constant 17 : i32
      %get3A_384 = arith.index_cast %get3A_383 : i32 to index
      %get3A_385 = arith.index_cast %mul3A_382 : i32 to index
      %get3A_386 = tpu.vector_load %arg5[%get3A_384, %get3A_385] {strides = array<i32>} : memref<26x512xi32, #tpu.memory_space<vmem>>, vector<1x16xi32>,
      %get3A_387 = vector.shape_cast %get3A_386 : vector<1x16xi32> to vector<16xi32>
      %shift_right_logical3A_388 = arith.constant 1 : i32
      %shift_right_logical3A_389 = vector.broadcast %shift_right_logical3A_388 : i32 to vector<16xi32>
      %shift_right_logical3A_390 = arith.shrui %get3A_387, %shift_right_logical3A_389 : vector<16xi32>
      %mul3A_391 = arith.constant 16 : i32
      %mul3A_392 = arith.muli %scan3A_76, %mul3A_391 : i32
      %swap3A_393 = arith.constant 17 : i32
      %swap3A_394 = arith.index_cast %swap3A_393 : i32 to index
      %swap3A_395 = arith.index_cast %mul3A_392 : i32 to index
      %swap3A_396 = tpu.vector_load %arg5[%swap3A_394, %swap3A_395] {strides = array<i32>} : memref<26x512xi32, #tpu.memory_space<vmem>>, vector<1x16xi32>,
      %swap3A_397 = vector.shape_cast %swap3A_396 : vector<1x16xi32> to vector<16xi32>
      %swap3A_398 = vector.shape_cast %shift_right_logical3A_390 : vector<16xi32> to vector<1x16xi32>
      tpu.vector_store %arg5[%swap3A_394, %swap3A_395], %swap3A_398 {strides = array<i32>} : memref<26x512xi32, #tpu.memory_space<vmem>>, vector<1x16xi32>,
      %mul3A_399 = arith.constant 16 : i32
      %mul3A_400 = arith.muli %scan3A_76, %mul3A_399 : i32
      %get3A_401 = arith.constant 18 : i32
      %get3A_402 = arith.index_cast %get3A_401 : i32 to index
      %get3A_403 = arith.index_cast %mul3A_400 : i32 to index
      %get3A_404 = tpu.vector_load %arg5[%get3A_402, %get3A_403] {strides = array<i32>} : memref<26x512xi32, #tpu.memory_space<vmem>>, vector<1x16xi32>,
      %get3A_405 = vector.shape_cast %get3A_404 : vector<1x16xi32> to vector<16xi32>
      %shift_right_logical3A_406 = arith.constant 1 : i32
      %shift_right_logical3A_407 = vector.broadcast %shift_right_logical3A_406 : i32 to vector<16xi32>
      %shift_right_logical3A_408 = arith.shrui %get3A_405, %shift_right_logical3A_407 : vector<16xi32>
      %mul3A_409 = arith.constant 16 : i32
      %mul3A_410 = arith.muli %scan3A_76, %mul3A_409 : i32
      %swap3A_411 = arith.constant 18 : i32
      %swap3A_412 = arith.index_cast %swap3A_411 : i32 to index
      %swap3A_413 = arith.index_cast %mul3A_410 : i32 to index
      %swap3A_414 = tpu.vector_load %arg5[%swap3A_412, %swap3A_413] {strides = array<i32>} : memref<26x512xi32, #tpu.memory_space<vmem>>, vector<1x16xi32>,
      %swap3A_415 = vector.shape_cast %swap3A_414 : vector<1x16xi32> to vector<16xi32>
      %swap3A_416 = vector.shape_cast %shift_right_logical3A_408 : vector<16xi32> to vector<1x16xi32>
      tpu.vector_store %arg5[%swap3A_412, %swap3A_413], %swap3A_416 {strides = array<i32>} : memref<26x512xi32, #tpu.memory_space<vmem>>, vector<1x16xi32>,
      %mul3A_417 = arith.constant 16 : i32
      %mul3A_418 = arith.muli %scan3A_76, %mul3A_417 : i32
      %get3A_419 = arith.constant 19 : i32
      %get3A_420 = arith.index_cast %get3A_419 : i32 to index
      %get3A_421 = arith.index_cast %mul3A_418 : i32 to index
      %get3A_422 = tpu.vector_load %arg5[%get3A_420, %get3A_421] {strides = array<i32>} : memref<26x512xi32, #tpu.memory_space<vmem>>, vector<1x16xi32>,
      %get3A_423 = vector.shape_cast %get3A_422 : vector<1x16xi32> to vector<16xi32>
      %shift_right_logical3A_424 = arith.constant 1 : i32
      %shift_right_logical3A_425 = vector.broadcast %shift_right_logical3A_424 : i32 to vector<16xi32>
      %shift_right_logical3A_426 = arith.shrui %get3A_423, %shift_right_logical3A_425 : vector<16xi32>
      %mul3A_427 = arith.constant 16 : i32
      %mul3A_428 = arith.muli %scan3A_76, %mul3A_427 : i32
      %swap3A_429 = arith.constant 19 : i32
      %swap3A_430 = arith.index_cast %swap3A_429 : i32 to index
      %swap3A_431 = arith.index_cast %mul3A_428 : i32 to index
      %swap3A_432 = tpu.vector_load %arg5[%swap3A_430, %swap3A_431] {strides = array<i32>} : memref<26x512xi32, #tpu.memory_space<vmem>>, vector<1x16xi32>,
      %swap3A_433 = vector.shape_cast %swap3A_432 : vector<1x16xi32> to vector<16xi32>
      %swap3A_434 = vector.shape_cast %shift_right_logical3A_426 : vector<16xi32> to vector<1x16xi32>
      tpu.vector_store %arg5[%swap3A_430, %swap3A_431], %swap3A_434 {strides = array<i32>} : memref<26x512xi32, #tpu.memory_space<vmem>>, vector<1x16xi32>,
      %mul3A_435 = arith.constant 16 : i32
      %mul3A_436 = arith.muli %scan3A_76, %mul3A_435 : i32
      %get3A_437 = arith.constant 20 : i32
      %get3A_438 = arith.index_cast %get3A_437 : i32 to index
      %get3A_439 = arith.index_cast %mul3A_436 : i32 to index
      %get3A_440 = tpu.vector_load %arg5[%get3A_438, %get3A_439] {strides = array<i32>} : memref<26x512xi32, #tpu.memory_space<vmem>>, vector<1x16xi32>,
      %get3A_441 = vector.shape_cast %get3A_440 : vector<1x16xi32> to vector<16xi32>
      %shift_right_logical3A_442 = arith.constant 1 : i32
      %shift_right_logical3A_443 = vector.broadcast %shift_right_logical3A_442 : i32 to vector<16xi32>
      %shift_right_logical3A_444 = arith.shrui %get3A_441, %shift_right_logical3A_443 : vector<16xi32>
      %mul3A_445 = arith.constant 16 : i32
      %mul3A_446 = arith.muli %scan3A_76, %mul3A_445 : i32
      %swap3A_447 = arith.constant 20 : i32
      %swap3A_448 = arith.index_cast %swap3A_447 : i32 to index
      %swap3A_449 = arith.index_cast %mul3A_446 : i32 to index
      %swap3A_450 = tpu.vector_load %arg5[%swap3A_448, %swap3A_449] {strides = array<i32>} : memref<26x512xi32, #tpu.memory_space<vmem>>, vector<1x16xi32>,
      %swap3A_451 = vector.shape_cast %swap3A_450 : vector<1x16xi32> to vector<16xi32>
      %swap3A_452 = vector.shape_cast %shift_right_logical3A_444 : vector<16xi32> to vector<1x16xi32>
      tpu.vector_store %arg5[%swap3A_448, %swap3A_449], %swap3A_452 {strides = array<i32>} : memref<26x512xi32, #tpu.memory_space<vmem>>, vector<1x16xi32>,
      %mul3A_453 = arith.constant 16 : i32
      %mul3A_454 = arith.muli %scan3A_76, %mul3A_453 : i32
      %get3A_455 = arith.constant 21 : i32
      %get3A_456 = arith.index_cast %get3A_455 : i32 to index
      %get3A_457 = arith.index_cast %mul3A_454 : i32 to index
      %get3A_458 = tpu.vector_load %arg5[%get3A_456, %get3A_457] {strides = array<i32>} : memref<26x512xi32, #tpu.memory_space<vmem>>, vector<1x16xi32>,
      %get3A_459 = vector.shape_cast %get3A_458 : vector<1x16xi32> to vector<16xi32>
      %shift_right_logical3A_460 = arith.constant 1 : i32
      %shift_right_logical3A_461 = vector.broadcast %shift_right_logical3A_460 : i32 to vector<16xi32>
      %shift_right_logical3A_462 = arith.shrui %get3A_459, %shift_right_logical3A_461 : vector<16xi32>
      %mul3A_463 = arith.constant 16 : i32
      %mul3A_464 = arith.muli %scan3A_76, %mul3A_463 : i32
      %swap3A_465 = arith.constant 21 : i32
      %swap3A_466 = arith.index_cast %swap3A_465 : i32 to index
      %swap3A_467 = arith.index_cast %mul3A_464 : i32 to index
      %swap3A_468 = tpu.vector_load %arg5[%swap3A_466, %swap3A_467] {strides = array<i32>} : memref<26x512xi32, #tpu.memory_space<vmem>>, vector<1x16xi32>,
      %swap3A_469 = vector.shape_cast %swap3A_468 : vector<1x16xi32> to vector<16xi32>
      %swap3A_470 = vector.shape_cast %shift_right_logical3A_462 : vector<16xi32> to vector<1x16xi32>
      tpu.vector_store %arg5[%swap3A_466, %swap3A_467], %swap3A_470 {strides = array<i32>} : memref<26x512xi32, #tpu.memory_space<vmem>>, vector<1x16xi32>,
      %mul3A_471 = arith.constant 16 : i32
      %mul3A_472 = arith.muli %scan3A_76, %mul3A_471 : i32
      %get3A_473 = arith.constant 22 : i32
      %get3A_474 = arith.index_cast %get3A_473 : i32 to index
      %get3A_475 = arith.index_cast %mul3A_472 : i32 to index
      %get3A_476 = tpu.vector_load %arg5[%get3A_474, %get3A_475] {strides = array<i32>} : memref<26x512xi32, #tpu.memory_space<vmem>>, vector<1x16xi32>,
      %get3A_477 = vector.shape_cast %get3A_476 : vector<1x16xi32> to vector<16xi32>
      %shift_right_logical3A_478 = arith.constant 1 : i32
      %shift_right_logical3A_479 = vector.broadcast %shift_right_logical3A_478 : i32 to vector<16xi32>
      %shift_right_logical3A_480 = arith.shrui %get3A_477, %shift_right_logical3A_479 : vector<16xi32>
      %mul3A_481 = arith.constant 16 : i32
      %mul3A_482 = arith.muli %scan3A_76, %mul3A_481 : i32
      %swap3A_483 = arith.constant 22 : i32
      %swap3A_484 = arith.index_cast %swap3A_483 : i32 to index
      %swap3A_485 = arith.index_cast %mul3A_482 : i32 to index
      %swap3A_486 = tpu.vector_load %arg5[%swap3A_484, %swap3A_485] {strides = array<i32>} : memref<26x512xi32, #tpu.memory_space<vmem>>, vector<1x16xi32>,
      %swap3A_487 = vector.shape_cast %swap3A_486 : vector<1x16xi32> to vector<16xi32>
      %swap3A_488 = vector.shape_cast %shift_right_logical3A_480 : vector<16xi32> to vector<1x16xi32>
      tpu.vector_store %arg5[%swap3A_484, %swap3A_485], %swap3A_488 {strides = array<i32>} : memref<26x512xi32, #tpu.memory_space<vmem>>, vector<1x16xi32>,
      %mul3A_489 = arith.constant 16 : i32
      %mul3A_490 = arith.muli %scan3A_76, %mul3A_489 : i32
      %get3A_491 = arith.constant 23 : i32
      %get3A_492 = arith.index_cast %get3A_491 : i32 to index
      %get3A_493 = arith.index_cast %mul3A_490 : i32 to index
      %get3A_494 = tpu.vector_load %arg5[%get3A_492, %get3A_493] {strides = array<i32>} : memref<26x512xi32, #tpu.memory_space<vmem>>, vector<1x16xi32>,
      %get3A_495 = vector.shape_cast %get3A_494 : vector<1x16xi32> to vector<16xi32>
      %shift_right_logical3A_496 = arith.constant 1 : i32
      %shift_right_logical3A_497 = vector.broadcast %shift_right_logical3A_496 : i32 to vector<16xi32>
      %shift_right_logical3A_498 = arith.shrui %get3A_495, %shift_right_logical3A_497 : vector<16xi32>
      %mul3A_499 = arith.constant 16 : i32
      %mul3A_500 = arith.muli %scan3A_76, %mul3A_499 : i32
      %swap3A_501 = arith.constant 23 : i32
      %swap3A_502 = arith.index_cast %swap3A_501 : i32 to index
      %swap3A_503 = arith.index_cast %mul3A_500 : i32 to index
      %swap3A_504 = tpu.vector_load %arg5[%swap3A_502, %swap3A_503] {strides = array<i32>} : memref<26x512xi32, #tpu.memory_space<vmem>>, vector<1x16xi32>,
      %swap3A_505 = vector.shape_cast %swap3A_504 : vector<1x16xi32> to vector<16xi32>
      %swap3A_506 = vector.shape_cast %shift_right_logical3A_498 : vector<16xi32> to vector<1x16xi32>
      tpu.vector_store %arg5[%swap3A_502, %swap3A_503], %swap3A_506 {strides = array<i32>} : memref<26x512xi32, #tpu.memory_space<vmem>>, vector<1x16xi32>,
      %mul3A_507 = arith.constant 16 : i32
      %mul3A_508 = arith.muli %scan3A_76, %mul3A_507 : i32
      %get3A_509 = arith.constant 24 : i32
      %get3A_510 = arith.index_cast %get3A_509 : i32 to index
      %get3A_511 = arith.index_cast %mul3A_508 : i32 to index
      %get3A_512 = tpu.vector_load %arg5[%get3A_510, %get3A_511] {strides = array<i32>} : memref<26x512xi32, #tpu.memory_space<vmem>>, vector<1x16xi32>,
      %get3A_513 = vector.shape_cast %get3A_512 : vector<1x16xi32> to vector<16xi32>
      %shift_right_logical3A_514 = arith.constant 1 : i32
      %shift_right_logical3A_515 = vector.broadcast %shift_right_logical3A_514 : i32 to vector<16xi32>
      %shift_right_logical3A_516 = arith.shrui %get3A_513, %shift_right_logical3A_515 : vector<16xi32>
      %mul3A_517 = arith.constant 16 : i32
      %mul3A_518 = arith.muli %scan3A_76, %mul3A_517 : i32
      %swap3A_519 = arith.constant 24 : i32
      %swap3A_520 = arith.index_cast %swap3A_519 : i32 to index
      %swap3A_521 = arith.index_cast %mul3A_518 : i32 to index
      %swap3A_522 = tpu.vector_load %arg5[%swap3A_520, %swap3A_521] {strides = array<i32>} : memref<26x512xi32, #tpu.memory_space<vmem>>, vector<1x16xi32>,
      %swap3A_523 = vector.shape_cast %swap3A_522 : vector<1x16xi32> to vector<16xi32>
      %swap3A_524 = vector.shape_cast %shift_right_logical3A_516 : vector<16xi32> to vector<1x16xi32>
      tpu.vector_store %arg5[%swap3A_520, %swap3A_521], %swap3A_524 {strides = array<i32>} : memref<26x512xi32, #tpu.memory_space<vmem>>, vector<1x16xi32>,
      %mul3A_525 = arith.constant 16 : i32
      %mul3A_526 = arith.muli %scan3A_76, %mul3A_525 : i32
      %get3A_527 = arith.constant 25 : i32
      %get3A_528 = arith.index_cast %get3A_527 : i32 to index
      %get3A_529 = arith.index_cast %mul3A_526 : i32 to index
      %get3A_530 = tpu.vector_load %arg5[%get3A_528, %get3A_529] {strides = array<i32>} : memref<26x512xi32, #tpu.memory_space<vmem>>, vector<1x16xi32>,
      %get3A_531 = vector.shape_cast %get3A_530 : vector<1x16xi32> to vector<16xi32>
      %shift_right_logical3A_532 = arith.constant 1 : i32
      %shift_right_logical3A_533 = vector.broadcast %shift_right_logical3A_532 : i32 to vector<16xi32>
      %shift_right_logical3A_534 = arith.shrui %get3A_531, %shift_right_logical3A_533 : vector<16xi32>
      %mul3A_535 = arith.constant 16 : i32
      %mul3A_536 = arith.muli %scan3A_76, %mul3A_535 : i32
      %swap3A_537 = arith.constant 25 : i32
      %swap3A_538 = arith.index_cast %swap3A_537 : i32 to index
      %swap3A_539 = arith.index_cast %mul3A_536 : i32 to index
      %swap3A_540 = tpu.vector_load %arg5[%swap3A_538, %swap3A_539] {strides = array<i32>} : memref<26x512xi32, #tpu.memory_space<vmem>>, vector<1x16xi32>,
      %swap3A_541 = vector.shape_cast %swap3A_540 : vector<1x16xi32> to vector<16xi32>
      %swap3A_542 = vector.shape_cast %shift_right_logical3A_534 : vector<16xi32> to vector<1x16xi32>
      tpu.vector_store %arg5[%swap3A_538, %swap3A_539], %swap3A_542 {strides = array<i32>} : memref<26x512xi32, #tpu.memory_space<vmem>>, vector<1x16xi32>,
      %scan3A_543 = arith.constant 0 : i32
      scf.yield %scan3A_543 : i32
    }
    %scan3A_8 = arith.constant 32 : i32
    %dma_start3A = arith.constant 0 : i32
    %dma_start3A_9 = arith.constant 0 : i32
    %dma_start3A_10 = arith.constant 0 : i32
    %dma_start3A_11 = arith.constant 0 : i32
    %dma_start3A_12 = arith.constant 0 : i32
    %dma_start3A_13 = arith.constant 0 : i32
    %dma_start3A_14 = tpu.memref_slice %arg6[%dma_start3A_10, %dma_start3A_12, %dma_start3A_13] : memref<2x128x128xf32, #tpu.memory_space<vmem>> -> memref<1x128x128xf32, #tpu.memory_space<vmem>>
    %dma_start3A_15 = tpu.memref_squeeze %dma_start3A_14 : memref<1x128x128xf32, #tpu.memory_space<vmem>> -> memref<128x128xf32, #tpu.memory_space<vmem>>
    %dma_start3A_16 = arith.constant 0 : i32
    %dma_start3A_17 = tpu.memref_slice %arg5[%dma_start3A_9, %dma_start3A_16] : memref<26x512xi32, #tpu.memory_space<vmem>> -> memref<1x128xi32, #tpu.memory_space<vmem>>
    %dma_start3A_18 = tpu.memref_squeeze %dma_start3A_17 : memref<1x128xi32, #tpu.memory_space<vmem>> -> memref<128xi32, #tpu.memory_space<vmem>>
    %dma_start3A_19 = arith.constant 0 : i32
    %dma_start3A_20 = arith.constant 0 : i32
    %dma_start3A_21 = tpu.memref_slice %arg3[%dma_start3A, %dma_start3A_19, %dma_start3A_20] : memref<26x50000x128xf32, #tpu.memory_space<hbm>> -> memref<1x50000x128xf32, #tpu.memory_space<hbm>>
    %dma_start3A_22 = tpu.memref_squeeze %dma_start3A_21 : memref<1x50000x128xf32, #tpu.memory_space<hbm>> -> memref<50000x128xf32, #tpu.memory_space<hbm>>
    %dma_start3A_23 = arith.constant 0 : i32
    %dma_start3A_24 = arith.constant 0 : i32
    %dma_start3A_25 = tpu.memref_slice %dma_start3A_22[%dma_start3A_23, %dma_start3A_24] : memref<50000x128xf32, #tpu.memory_space<hbm>> -> memref<50000x128xf32, #tpu.memory_space<hbm>>
    %dma_start3A_26 = tpu.memref_slice %arg7[%dma_start3A_11] : memref<2x!tpu.dma_semaphore, #tpu.memory_space<semaphore_mem>> -> memref<1x!tpu.dma_semaphore, #tpu.memory_space<semaphore_mem>>
    %dma_start3A_27 = tpu.memref_squeeze %dma_start3A_26 : memref<1x!tpu.dma_semaphore, #tpu.memory_space<semaphore_mem>> -> memref<!tpu.dma_semaphore, #tpu.memory_space<semaphore_mem>>
    tpu.enqueue_indirect_dma source(%dma_start3A_25 : memref<50000x128xf32, #tpu.memory_space<hbm>>) target(%dma_start3A_15 : memref<128x128xf32, #tpu.memory_space<vmem>>) offsets(%dma_start3A_18 : memref<128xi32, #tpu.memory_space<vmem>>) semaphore(%dma_start3A_27 : memref<!tpu.dma_semaphore, #tpu.memory_space<semaphore_mem>>)
    %scan3A_28 = arith.constant 0 : i32
    %scan3A_29 = arith.constant 0 : i32
    %scan3A_30 = arith.constant 104 : i32
    %scan3A_31 = arith.addi %scan3A_29, %scan3A_30 : i32
    %scan3A_32 = arith.constant 1 : i32
    %scan3A_33 = scf.for %scan3A_76 = %scan3A_29 to %scan3A_31 step %scan3A_32 iter_args(%scan3A_77 = %scan3A_28) -> (i32)  : i32 {
      %rem3A = arith.constant 2 : i32
      %rem3A_78 = arith.remsi %scan3A_76, %rem3A : i32
      %sub3A = arith.constant 1 : i32
      %sub3A_79 = arith.subi %sub3A, %rem3A_78 : i32
      %add3A_80 = arith.constant 1 : i32
      %add3A_81 = arith.addi %scan3A_76, %add3A_80 : i32
      %lt3A = arith.constant 104 : i32
      %lt3A_82 = arith.cmpi slt, %add3A_81, %lt3A : i32
      %convert_element_type3A = arith.extui %lt3A_82 : i1 to i32
      %cond3A = arith.constant 0 : i32
      %cond3A_83 = arith.cmpi ne, %convert_element_type3A, %cond3A : i32
      scf.if %cond3A_83 {
        %add3A_156 = arith.constant 1 : i32
        %add3A_157 = arith.addi %scan3A_76, %add3A_156 : i32
        %ge3A = arith.constant 2 : i32
        %ge3A_158 = arith.cmpi sge, %add3A_157, %ge3A : i32
        %convert_element_type3A_159 = arith.extui %ge3A_158 : i1 to i32
        %cond3A_160 = arith.constant 0 : i32
        %cond3A_161 = arith.cmpi ne, %convert_element_type3A_159, %cond3A_160 : i32
        scf.if %cond3A_161 {
          %dma_wait3A_221 = arith.constant 0 : i32
          %dma_wait3A_222 = arith.constant 0 : i32
          %dma_wait3A_223 = arith.constant 0 : i32
          %dma_wait3A_224 = tpu.memref_slice %arg6[%sub3A_79, %dma_wait3A_222, %dma_wait3A_223] : memref<2x128x128xf32, #tpu.memory_space<vmem>> -> memref<1x128x128xf32, #tpu.memory_space<vmem>>
          %dma_wait3A_225 = tpu.memref_squeeze %dma_wait3A_224 : memref<1x128x128xf32, #tpu.memory_space<vmem>> -> memref<128x128xf32, #tpu.memory_space<vmem>>
          %dma_wait3A_226 = arith.constant 0 : i32
          %dma_wait3A_227 = arith.constant 0 : i32
          %dma_wait3A_228 = tpu.memref_slice %arg4[%dma_wait3A_221, %dma_wait3A_226, %dma_wait3A_227] : memref<26x16384x128xf32, #tpu.memory_space<hbm>> -> memref<1x128x128xf32, #tpu.memory_space<hbm>>
          %dma_wait3A_229 = tpu.memref_squeeze %dma_wait3A_228 : memref<1x128x128xf32, #tpu.memory_space<hbm>> -> memref<128x128xf32, #tpu.memory_space<hbm>>
          %dma_wait3A_230 = tpu.memref_slice %arg8[%sub3A_79] : memref<2x!tpu.dma_semaphore, #tpu.memory_space<semaphore_mem>> -> memref<1x!tpu.dma_semaphore, #tpu.memory_space<semaphore_mem>>
          %dma_wait3A_231 = tpu.memref_squeeze %dma_wait3A_230 : memref<1x!tpu.dma_semaphore, #tpu.memory_space<semaphore_mem>> -> memref<!tpu.dma_semaphore, #tpu.memory_space<semaphore_mem>>
          %dma_wait3A_232 = arith.constant 0 : i32
          %dma_wait3A_233 = arith.constant 0 : i32
          %dma_wait3A_234 = tpu.memref_slice %arg6[%sub3A_79, %dma_wait3A_232, %dma_wait3A_233] : memref<2x128x128xf32, #tpu.memory_space<vmem>> -> memref<1x128x128xf32, #tpu.memory_space<vmem>>
          %dma_wait3A_235 = tpu.memref_squeeze %dma_wait3A_234 : memref<1x128x128xf32, #tpu.memory_space<vmem>> -> memref<128x128xf32, #tpu.memory_space<vmem>>
          %dma_wait3A_236 = arith.constant 0 : i32
          %dma_wait3A_237 = arith.constant 0 : i32
          %dma_wait3A_238 = tpu.memref_slice %arg4[%dma_wait3A_221, %dma_wait3A_236, %dma_wait3A_237] : memref<26x16384x128xf32, #tpu.memory_space<hbm>> -> memref<1x128x128xf32, #tpu.memory_space<hbm>>
          %dma_wait3A_239 = tpu.memref_squeeze %dma_wait3A_238 : memref<1x128x128xf32, #tpu.memory_space<hbm>> -> memref<128x128xf32, #tpu.memory_space<hbm>>
          tpu.wait_dma2 semaphore(%dma_wait3A_231 : memref<!tpu.dma_semaphore, #tpu.memory_space<semaphore_mem>>) src(%dma_wait3A_239 : memref<128x128xf32, #tpu.memory_space<hbm>>) dst(%dma_wait3A_235 : memref<128x128xf32, #tpu.memory_space<vmem>>)
        } else {
        }
        %add3A_162 = arith.constant 1 : i32
        %add3A_163 = arith.addi %scan3A_76, %add3A_162 : i32
        %jit3A_164 = arith.constant 4 : i32
        %div3A_165 = arith.divsi %add3A_163, %jit3A_164 : i32
        %sign3A_166 = arith.constant 0 : i32
        %sign3A_167 = arith.cmpi sgt, %add3A_163, %sign3A_166 : i32
        %sign3A_168 = arith.extui %sign3A_167 : i1 to i32
        %sign3A_169 = arith.constant 0 : i32
        %sign3A_170 = arith.cmpi slt, %add3A_163, %sign3A_169 : i32
        %sign3A_171 = arith.extui %sign3A_170 : i1 to i32
        %sign3A_172 = arith.subi %sign3A_168, %sign3A_171 : i32
        %sign3A_173 = arith.constant 0 : i32
        %sign3A_174 = arith.cmpi sgt, %jit3A_164, %sign3A_173 : i32
        %sign3A_175 = arith.extui %sign3A_174 : i1 to i32
        %sign3A_176 = arith.constant 0 : i32
        %sign3A_177 = arith.cmpi slt, %jit3A_164, %sign3A_176 : i32
        %sign3A_178 = arith.extui %sign3A_177 : i1 to i32
        %sign3A_179 = arith.subi %sign3A_175, %sign3A_178 : i32
        %ne3A_180 = arith.cmpi ne, %sign3A_172, %sign3A_179 : i32
        %rem3A_181 = arith.remsi %add3A_163, %jit3A_164 : i32
        %ne3A_182 = arith.constant 0 : i32
        %ne3A_183 = arith.cmpi ne, %rem3A_181, %ne3A_182 : i32
        %and3A_184 = arith.andi %ne3A_180, %ne3A_183 : i1
        %sub3A_185 = arith.constant 1 : i32
        %sub3A_186 = arith.subi %div3A_165, %sub3A_185 : i32
        %select_n3A_187 = arith.select %and3A_184, %sub3A_186, %div3A_165 : i32
        %jit3A_188 = arith.constant 4 : i32
        %eq3A_189 = arith.constant 0 : i32
        %eq3A_190 = arith.cmpi eq, %jit3A_188, %eq3A_189 : i32
        %jit3A_191 = arith.constant 1 : i32
        %select_n3A_192 = arith.select %eq3A_190, %jit3A_191, %jit3A_188 : i32
        %rem3A_193 = arith.remsi %add3A_163, %select_n3A_192 : i32
        %ne3A_194 = arith.constant 0 : i32
        %ne3A_195 = arith.cmpi ne, %rem3A_193, %ne3A_194 : i32
        %lt3A_196 = arith.constant 0 : i32
        %lt3A_197 = arith.cmpi slt, %rem3A_193, %lt3A_196 : i32
        %lt3A_198 = arith.constant 0 : i32
        %lt3A_199 = arith.cmpi slt, %select_n3A_192, %lt3A_198 : i32
        %ne3A_200 = arith.xori %lt3A_197, %lt3A_199 : i1
        %and3A_201 = arith.andi %ne3A_200, %ne3A_195 : i1
        %add3A_202 = arith.addi %rem3A_193, %select_n3A_192 : i32
        %select_n3A_203 = arith.select %and3A_201, %add3A_202, %rem3A_193 : i32
        %mul3A_204 = arith.constant 128 : i32
        %mul3A_205 = arith.muli %select_n3A_203, %mul3A_204 : i32
        %dma_start3A_206 = arith.constant 0 : i32
        %dma_start3A_207 = arith.constant 0 : i32
        %dma_start3A_208 = tpu.memref_slice %arg6[%sub3A_79, %dma_start3A_206, %dma_start3A_207] : memref<2x128x128xf32, #tpu.memory_space<vmem>> -> memref<1x128x128xf32, #tpu.memory_space<vmem>>
        %dma_start3A_209 = tpu.memref_squeeze %dma_start3A_208 : memref<1x128x128xf32, #tpu.memory_space<vmem>> -> memref<128x128xf32, #tpu.memory_space<vmem>>
        %dma_start3A_210 = tpu.memref_slice %arg5[%select_n3A_187, %mul3A_205] : memref<26x512xi32, #tpu.memory_space<vmem>> -> memref<1x128xi32, #tpu.memory_space<vmem>>
        %dma_start3A_211 = tpu.memref_squeeze %dma_start3A_210 : memref<1x128xi32, #tpu.memory_space<vmem>> -> memref<128xi32, #tpu.memory_space<vmem>>
        %dma_start3A_212 = arith.constant 0 : i32
        %dma_start3A_213 = arith.constant 0 : i32
        %dma_start3A_214 = tpu.memref_slice %arg3[%select_n3A_187, %dma_start3A_212, %dma_start3A_213] : memref<26x50000x128xf32, #tpu.memory_space<hbm>> -> memref<1x50000x128xf32, #tpu.memory_space<hbm>>
        %dma_start3A_215 = tpu.memref_squeeze %dma_start3A_214 : memref<1x50000x128xf32, #tpu.memory_space<hbm>> -> memref<50000x128xf32, #tpu.memory_space<hbm>>
        %dma_start3A_216 = arith.constant 0 : i32
        %dma_start3A_217 = arith.constant 0 : i32
        %dma_start3A_218 = tpu.memref_slice %dma_start3A_215[%dma_start3A_216, %dma_start3A_217] : memref<50000x128xf32, #tpu.memory_space<hbm>> -> memref<50000x128xf32, #tpu.memory_space<hbm>>
        %dma_start3A_219 = tpu.memref_slice %arg7[%sub3A_79] : memref<2x!tpu.dma_semaphore, #tpu.memory_space<semaphore_mem>> -> memref<1x!tpu.dma_semaphore, #tpu.memory_space<semaphore_mem>>
        %dma_start3A_220 = tpu.memref_squeeze %dma_start3A_219 : memref<1x!tpu.dma_semaphore, #tpu.memory_space<semaphore_mem>> -> memref<!tpu.dma_semaphore, #tpu.memory_space<semaphore_mem>>
        tpu.enqueue_indirect_dma source(%dma_start3A_218 : memref<50000x128xf32, #tpu.memory_space<hbm>>) target(%dma_start3A_209 : memref<128x128xf32, #tpu.memory_space<vmem>>) offsets(%dma_start3A_211 : memref<128xi32, #tpu.memory_space<vmem>>) semaphore(%dma_start3A_220 : memref<!tpu.dma_semaphore, #tpu.memory_space<semaphore_mem>>)
      } else {
      }
      %dma_wait3A_84 = arith.constant 0 : i32
      %dma_wait3A_85 = arith.constant 0 : i32
      %dma_wait3A_86 = arith.constant 0 : i32
      %dma_wait3A_87 = tpu.memref_slice %arg6[%rem3A_78, %dma_wait3A_85, %dma_wait3A_86] : memref<2x128x128xf32, #tpu.memory_space<vmem>> -> memref<1x128x128xf32, #tpu.memory_space<vmem>>
      %dma_wait3A_88 = tpu.memref_squeeze %dma_wait3A_87 : memref<1x128x128xf32, #tpu.memory_space<vmem>> -> memref<128x128xf32, #tpu.memory_space<vmem>>
      %dma_wait3A_89 = arith.constant 0 : i32
      %dma_wait3A_90 = arith.constant 0 : i32
      %dma_wait3A_91 = tpu.memref_slice %arg4[%dma_wait3A_84, %dma_wait3A_89, %dma_wait3A_90] : memref<26x16384x128xf32, #tpu.memory_space<hbm>> -> memref<1x128x128xf32, #tpu.memory_space<hbm>>
      %dma_wait3A_92 = tpu.memref_squeeze %dma_wait3A_91 : memref<1x128x128xf32, #tpu.memory_space<hbm>> -> memref<128x128xf32, #tpu.memory_space<hbm>>
      %dma_wait3A_93 = tpu.memref_slice %arg7[%rem3A_78] : memref<2x!tpu.dma_semaphore, #tpu.memory_space<semaphore_mem>> -> memref<1x!tpu.dma_semaphore, #tpu.memory_space<semaphore_mem>>
      %dma_wait3A_94 = tpu.memref_squeeze %dma_wait3A_93 : memref<1x!tpu.dma_semaphore, #tpu.memory_space<semaphore_mem>> -> memref<!tpu.dma_semaphore, #tpu.memory_space<semaphore_mem>>
      %dma_wait3A_95 = arith.constant 0 : i32
      %dma_wait3A_96 = arith.constant 0 : i32
      %dma_wait3A_97 = tpu.memref_slice %arg6[%rem3A_78, %dma_wait3A_95, %dma_wait3A_96] : memref<2x128x128xf32, #tpu.memory_space<vmem>> -> memref<1x128x128xf32, #tpu.memory_space<vmem>>
      %dma_wait3A_98 = tpu.memref_squeeze %dma_wait3A_97 : memref<1x128x128xf32, #tpu.memory_space<vmem>> -> memref<128x128xf32, #tpu.memory_space<vmem>>
      %dma_wait3A_99 = arith.constant 0 : i32
      %dma_wait3A_100 = arith.constant 0 : i32
      %dma_wait3A_101 = tpu.memref_slice %arg4[%dma_wait3A_84, %dma_wait3A_99, %dma_wait3A_100] : memref<26x16384x128xf32, #tpu.memory_space<hbm>> -> memref<1x128x128xf32, #tpu.memory_space<hbm>>
      %dma_wait3A_102 = tpu.memref_squeeze %dma_wait3A_101 : memref<1x128x128xf32, #tpu.memory_space<hbm>> -> memref<128x128xf32, #tpu.memory_space<hbm>>
      tpu.wait_dma2 semaphore(%dma_wait3A_94 : memref<!tpu.dma_semaphore, #tpu.memory_space<semaphore_mem>>) src(%dma_wait3A_102 : memref<128x128xf32, #tpu.memory_space<hbm>>) dst(%dma_wait3A_98 : memref<128x128xf32, #tpu.memory_space<vmem>>)
      %jit3A = arith.constant 4 : i32
      %div3A = arith.divsi %scan3A_76, %jit3A : i32
      %sign3A = arith.constant 0 : i32
      %sign3A_103 = arith.cmpi sgt, %scan3A_76, %sign3A : i32
      %sign3A_104 = arith.extui %sign3A_103 : i1 to i32
      %sign3A_105 = arith.constant 0 : i32
      %sign3A_106 = arith.cmpi slt, %scan3A_76, %sign3A_105 : i32
      %sign3A_107 = arith.extui %sign3A_106 : i1 to i32
      %sign3A_108 = arith.subi %sign3A_104, %sign3A_107 : i32
      %sign3A_109 = arith.constant 0 : i32
      %sign3A_110 = arith.cmpi sgt, %jit3A, %sign3A_109 : i32
      %sign3A_111 = arith.extui %sign3A_110 : i1 to i32
      %sign3A_112 = arith.constant 0 : i32
      %sign3A_113 = arith.cmpi slt, %jit3A, %sign3A_112 : i32
      %sign3A_114 = arith.extui %sign3A_113 : i1 to i32
      %sign3A_115 = arith.subi %sign3A_111, %sign3A_114 : i32
      %ne3A = arith.cmpi ne, %sign3A_108, %sign3A_115 : i32
      %rem3A_116 = arith.remsi %scan3A_76, %jit3A : i32
      %ne3A_117 = arith.constant 0 : i32
      %ne3A_118 = arith.cmpi ne, %rem3A_116, %ne3A_117 : i32
      %and3A = arith.andi %ne3A, %ne3A_118 : i1
      %sub3A_119 = arith.constant 1 : i32
      %sub3A_120 = arith.subi %div3A, %sub3A_119 : i32
      %select_n3A = arith.select %and3A, %sub3A_120, %div3A : i32
      %jit3A_121 = arith.constant 4 : i32
      %eq3A = arith.constant 0 : i32
      %eq3A_122 = arith.cmpi eq, %jit3A_121, %eq3A : i32
      %jit3A_123 = arith.constant 1 : i32
      %select_n3A_124 = arith.select %eq3A_122, %jit3A_123, %jit3A_121 : i32
      %rem3A_125 = arith.remsi %scan3A_76, %select_n3A_124 : i32
      %ne3A_126 = arith.constant 0 : i32
      %ne3A_127 = arith.cmpi ne, %rem3A_125, %ne3A_126 : i32
      %lt3A_128 = arith.constant 0 : i32
      %lt3A_129 = arith.cmpi slt, %rem3A_125, %lt3A_128 : i32
      %lt3A_130 = arith.constant 0 : i32
      %lt3A_131 = arith.cmpi slt, %select_n3A_124, %lt3A_130 : i32
      %ne3A_132 = arith.xori %lt3A_129, %lt3A_131 : i1
      %and3A_133 = arith.andi %ne3A_132, %ne3A_127 : i1
      %add3A_134 = arith.addi %rem3A_125, %select_n3A_124 : i32
      %select_n3A_135 = arith.select %and3A_133, %add3A_134, %rem3A_125 : i32
      %mul3A_136 = arith.constant 128 : i32
      %mul3A_137 = arith.muli %select_n3A_135, %mul3A_136 : i32
      %add3A_138 = arith.addi %mul3A_2, %mul3A_137 : i32
      %dma_start3A_139 = arith.constant 0 : i32
      %dma_start3A_140 = arith.constant 0 : i32
      %dma_start3A_141 = tpu.memref_slice %arg6[%rem3A_78, %dma_start3A_139, %dma_start3A_140] : memref<2x128x128xf32, #tpu.memory_space<vmem>> -> memref<1x128x128xf32, #tpu.memory_space<vmem>>
      %dma_start3A_142 = tpu.memref_squeeze %dma_start3A_141 : memref<1x128x128xf32, #tpu.memory_space<vmem>> -> memref<128x128xf32, #tpu.memory_space<vmem>>
      %dma_start3A_143 = arith.constant 0 : i32
      %dma_start3A_144 = tpu.memref_slice %arg4[%select_n3A, %add3A_138, %dma_start3A_143] : memref<26x16384x128xf32, #tpu.memory_space<hbm>> -> memref<1x128x128xf32, #tpu.memory_space<hbm>>
      %dma_start3A_145 = tpu.memref_squeeze %dma_start3A_144 : memref<1x128x128xf32, #tpu.memory_space<hbm>> -> memref<128x128xf32, #tpu.memory_space<hbm>>
      %dma_start3A_146 = tpu.memref_slice %arg8[%rem3A_78] : memref<2x!tpu.dma_semaphore, #tpu.memory_space<semaphore_mem>> -> memref<1x!tpu.dma_semaphore, #tpu.memory_space<semaphore_mem>>
      %dma_start3A_147 = tpu.memref_squeeze %dma_start3A_146 : memref<1x!tpu.dma_semaphore, #tpu.memory_space<semaphore_mem>> -> memref<!tpu.dma_semaphore, #tpu.memory_space<semaphore_mem>>
      %dma_start3A_148 = arith.constant 0 : i32
      %dma_start3A_149 = tpu.memref_slice %arg4[%select_n3A, %add3A_138, %dma_start3A_148] : memref<26x16384x128xf32, #tpu.memory_space<hbm>> -> memref<1x128x128xf32, #tpu.memory_space<hbm>>
      %dma_start3A_150 = tpu.memref_squeeze %dma_start3A_149 : memref<1x128x128xf32, #tpu.memory_space<hbm>> -> memref<128x128xf32, #tpu.memory_space<hbm>>
      %dma_start3A_151 = arith.constant 0 : i32
      %dma_start3A_152 = arith.constant 0 : i32
      %dma_start3A_153 = tpu.memref_slice %arg6[%rem3A_78, %dma_start3A_151, %dma_start3A_152] : memref<2x128x128xf32, #tpu.memory_space<vmem>> -> memref<1x128x128xf32, #tpu.memory_space<vmem>>
      %dma_start3A_154 = tpu.memref_squeeze %dma_start3A_153 : memref<1x128x128xf32, #tpu.memory_space<vmem>> -> memref<128x128xf32, #tpu.memory_space<vmem>>
      tpu.enqueue_dma source(%dma_start3A_154 : memref<128x128xf32, #tpu.memory_space<vmem>>) target(%dma_start3A_150 : memref<128x128xf32, #tpu.memory_space<hbm>>) target_semaphore(%dma_start3A_147 : memref<!tpu.dma_semaphore, #tpu.memory_space<semaphore_mem>>)
      %scan3A_155 = arith.constant 0 : i32
      scf.yield %scan3A_155 : i32
    }
    %scan3A_34 = arith.constant 104 : i32
    %dma_wait3A = arith.constant 0 : i32
    %dma_wait3A_35 = arith.constant 0 : i32
    %dma_wait3A_36 = arith.constant 0 : i32
    %dma_wait3A_37 = arith.constant 0 : i32
    %dma_wait3A_38 = arith.constant 0 : i32
    %dma_wait3A_39 = tpu.memref_slice %arg6[%dma_wait3A_35, %dma_wait3A_37, %dma_wait3A_38] : memref<2x128x128xf32, #tpu.memory_space<vmem>> -> memref<1x128x128xf32, #tpu.memory_space<vmem>>
    %dma_wait3A_40 = tpu.memref_squeeze %dma_wait3A_39 : memref<1x128x128xf32, #tpu.memory_space<vmem>> -> memref<128x128xf32, #tpu.memory_space<vmem>>
    %dma_wait3A_41 = arith.constant 0 : i32
    %dma_wait3A_42 = arith.constant 0 : i32
    %dma_wait3A_43 = tpu.memref_slice %arg4[%dma_wait3A, %dma_wait3A_41, %dma_wait3A_42] : memref<26x16384x128xf32, #tpu.memory_space<hbm>> -> memref<1x128x128xf32, #tpu.memory_space<hbm>>
    %dma_wait3A_44 = tpu.memref_squeeze %dma_wait3A_43 : memref<1x128x128xf32, #tpu.memory_space<hbm>> -> memref<128x128xf32, #tpu.memory_space<hbm>>
    %dma_wait3A_45 = tpu.memref_slice %arg8[%dma_wait3A_36] : memref<2x!tpu.dma_semaphore, #tpu.memory_space<semaphore_mem>> -> memref<1x!tpu.dma_semaphore, #tpu.memory_space<semaphore_mem>>
    %dma_wait3A_46 = tpu.memref_squeeze %dma_wait3A_45 : memref<1x!tpu.dma_semaphore, #tpu.memory_space<semaphore_mem>> -> memref<!tpu.dma_semaphore, #tpu.memory_space<semaphore_mem>>
    %dma_wait3A_47 = arith.constant 0 : i32
    %dma_wait3A_48 = arith.constant 0 : i32
    %dma_wait3A_49 = tpu.memref_slice %arg6[%dma_wait3A_35, %dma_wait3A_47, %dma_wait3A_48] : memref<2x128x128xf32, #tpu.memory_space<vmem>> -> memref<1x128x128xf32, #tpu.memory_space<vmem>>
    %dma_wait3A_50 = tpu.memref_squeeze %dma_wait3A_49 : memref<1x128x128xf32, #tpu.memory_space<vmem>> -> memref<128x128xf32, #tpu.memory_space<vmem>>
    %dma_wait3A_51 = arith.constant 0 : i32
    %dma_wait3A_52 = arith.constant 0 : i32
    %dma_wait3A_53 = tpu.memref_slice %arg4[%dma_wait3A, %dma_wait3A_51, %dma_wait3A_52] : memref<26x16384x128xf32, #tpu.memory_space<hbm>> -> memref<1x128x128xf32, #tpu.memory_space<hbm>>
    %dma_wait3A_54 = tpu.memref_squeeze %dma_wait3A_53 : memref<1x128x128xf32, #tpu.memory_space<hbm>> -> memref<128x128xf32, #tpu.memory_space<hbm>>
    tpu.wait_dma2 semaphore(%dma_wait3A_46 : memref<!tpu.dma_semaphore, #tpu.memory_space<semaphore_mem>>) src(%dma_wait3A_54 : memref<128x128xf32, #tpu.memory_space<hbm>>) dst(%dma_wait3A_50 : memref<128x128xf32, #tpu.memory_space<vmem>>)
    %dma_wait3A_55 = arith.constant 0 : i32
    %dma_wait3A_56 = arith.constant 1 : i32
    %dma_wait3A_57 = arith.constant 1 : i32
    %dma_wait3A_58 = arith.constant 0 : i32
    %dma_wait3A_59 = arith.constant 0 : i32
    %dma_wait3A_60 = tpu.memref_slice %arg6[%dma_wait3A_56, %dma_wait3A_58, %dma_wait3A_59] : memref<2x128x128xf32, #tpu.memory_space<vmem>> -> memref<1x128x128xf32, #tpu.memory_space<vmem>>
    %dma_wait3A_61 = tpu.memref_squeeze %dma_wait3A_60 : memref<1x128x128xf32, #tpu.memory_space<vmem>> -> memref<128x128xf32, #tpu.memory_space<vmem>>
    %dma_wait3A_62 = arith.constant 0 : i32
    %dma_wait3A_63 = arith.constant 0 : i32
    %dma_wait3A_64 = tpu.memref_slice %arg4[%dma_wait3A_55, %dma_wait3A_62, %dma_wait3A_63] : memref<26x16384x128xf32, #tpu.memory_space<hbm>> -> memref<1x128x128xf32, #tpu.memory_space<hbm>>
    %dma_wait3A_65 = tpu.memref_squeeze %dma_wait3A_64 : memref<1x128x128xf32, #tpu.memory_space<hbm>> -> memref<128x128xf32, #tpu.memory_space<hbm>>
    %dma_wait3A_66 = tpu.memref_slice %arg8[%dma_wait3A_57] : memref<2x!tpu.dma_semaphore, #tpu.memory_space<semaphore_mem>> -> memref<1x!tpu.dma_semaphore, #tpu.memory_space<semaphore_mem>>
    %dma_wait3A_67 = tpu.memref_squeeze %dma_wait3A_66 : memref<1x!tpu.dma_semaphore, #tpu.memory_space<semaphore_mem>> -> memref<!tpu.dma_semaphore, #tpu.memory_space<semaphore_mem>>
    %dma_wait3A_68 = arith.constant 0 : i32
    %dma_wait3A_69 = arith.constant 0 : i32
    %dma_wait3A_70 = tpu.memref_slice %arg6[%dma_wait3A_56, %dma_wait3A_68, %dma_wait3A_69] : memref<2x128x128xf32, #tpu.memory_space<vmem>> -> memref<1x128x128xf32, #tpu.memory_space<vmem>>
    %dma_wait3A_71 = tpu.memref_squeeze %dma_wait3A_70 : memref<1x128x128xf32, #tpu.memory_space<vmem>> -> memref<128x128xf32, #tpu.memory_space<vmem>>
    %dma_wait3A_72 = arith.constant 0 : i32
    %dma_wait3A_73 = arith.constant 0 : i32
    %dma_wait3A_74 = tpu.memref_slice %arg4[%dma_wait3A_55, %dma_wait3A_72, %dma_wait3A_73] : memref<26x16384x128xf32, #tpu.memory_space<hbm>> -> memref<1x128x128xf32, #tpu.memory_space<hbm>>
    %dma_wait3A_75 = tpu.memref_squeeze %dma_wait3A_74 : memref<1x128x128xf32, #tpu.memory_space<hbm>> -> memref<128x128xf32, #tpu.memory_space<hbm>>
    tpu.wait_dma2 semaphore(%dma_wait3A_67 : memref<!tpu.dma_semaphore, #tpu.memory_space<semaphore_mem>>) src(%dma_wait3A_75 : memref<128x128xf32, #tpu.memory_space<hbm>>) dst(%dma_wait3A_71 : memref<128x128xf32, #tpu.memory_space<vmem>>)
    return
  }
}

module attributes {stable_mosaic.version = 14 : i64} {
  func.func @_mlp_body(%arg0: i32, %arg1: memref<512x13xbf16, #tpu.memory_space<vmem>>, %arg2: memref<26x512x128xf32, #tpu.memory_space<vmem>>, %arg3: memref<512x26xf32, #tpu.memory_space<vmem>>, %arg4: memref<13x1024xbf16, #tpu.memory_space<vmem>>, %arg5: memref<1664x1024xbf16, #tpu.memory_space<vmem>>, %arg6: memref<1x1024xf32, #tpu.memory_space<vmem>>, %arg7: memref<1024x512xbf16, #tpu.memory_space<vmem>>, %arg8: memref<1x512xf32, #tpu.memory_space<vmem>>, %arg9: memref<512x1xbf16, #tpu.memory_space<vmem>>, %arg10: memref<1x1xf32, #tpu.memory_space<vmem>>, %arg11: memref<512x1xf32, #tpu.memory_space<vmem>>) attributes {dimension_semantics = [#tpu.dimension_semantics<arbitrary>], iteration_bounds = array<i64: 32>, scalar_prefetch = 0 : i64, scratch_operands = 0 : i64, tpu.core_type = #tpu.core_type<tc>, window_params = [{transform_indices = @transform_0, window_bounds = array<i64: 512, 13>}, {transform_indices = @transform_1, window_bounds = array<i64: 26, 512, 128>}, {transform_indices = @transform_2, window_bounds = array<i64: 512, 26>}, {pipeline_mode = #tpu.pipeline_mode<synchronous>, transform_indices = @transform_3, window_bounds = array<i64: 13, 1024>}, {pipeline_mode = #tpu.pipeline_mode<synchronous>, transform_indices = @transform_4, window_bounds = array<i64: 1664, 1024>}, {pipeline_mode = #tpu.pipeline_mode<synchronous>, transform_indices = @transform_5, window_bounds = array<i64: 1, 1024>}, {pipeline_mode = #tpu.pipeline_mode<synchronous>, transform_indices = @transform_6, window_bounds = array<i64: 1024, 512>}, {pipeline_mode = #tpu.pipeline_mode<synchronous>, transform_indices = @transform_7, window_bounds = array<i64: 1, 512>}, {pipeline_mode = #tpu.pipeline_mode<synchronous>, transform_indices = @transform_8, window_bounds = array<i64: 512, 1>}, {pipeline_mode = #tpu.pipeline_mode<synchronous>, transform_indices = @transform_9, window_bounds = array<i64: 1, 1>}, {transform_indices = @transform_10, window_bounds = array<i64: 512, 1>}]} {
    %get3A = arith.constant 0 : index
    %get3A_0 = arith.constant 0 : index
    %get3A_1 = arith.constant 0 : index
    %get3A_2 = vector.load %arg2[%get3A, %get3A_0, %get3A_1] : memref<26x512x128xf32, #tpu.memory_space<vmem>>, vector<1x512x128xf32>
    %get3A_3 = vector.shape_cast %get3A_2 : vector<1x512x128xf32> to vector<512x128xf32>
    %get3A_4 = arith.constant 0 : index
    %get3A_5 = arith.constant 0 : index
    %get3A_6 = vector.load %arg3[%get3A_4, %get3A_5] : memref<512x26xf32, #tpu.memory_space<vmem>>, vector<512x1xf32>
    %gt3A = arith.constant 5.000000e-01 : f32
    %gt3A_7 = vector.broadcast %gt3A : f32 to vector<512x1xf32>
    %gt3A_8 = arith.cmpf ogt, %get3A_6, %gt3A_7 : vector<512x1xf32>
    %slice3A = vector.extract_strided_slice %get3A_3 {offsets = [0, 64], sizes = [512, 64], strides = [1, 1]} : vector<512x128xf32> to vector<512x64xf32>
    %slice3A_9 = vector.extract_strided_slice %get3A_3 {offsets = [0, 0], sizes = [512, 64], strides = [1, 1]} : vector<512x128xf32> to vector<512x64xf32>
    %broadcast_in_dim3A = vector.shape_cast %gt3A_8 : vector<512x1xi1> to vector<512x1xi1>
    %broadcast_in_dim3A_10 = vector.broadcast %broadcast_in_dim3A : vector<512x1xi1> to vector<512x64xi1>
    %select_n3A = arith.select %broadcast_in_dim3A_10, %slice3A, %slice3A_9 : vector<512x64xi1>, vector<512x64xf32>
    %convert_element_type3A = arith.truncf %select_n3A : vector<512x64xf32> to vector<512x64xbf16>
    %get3A_11 = arith.constant 1 : index
    %get3A_12 = arith.constant 0 : index
    %get3A_13 = arith.constant 0 : index
    %get3A_14 = vector.load %arg2[%get3A_11, %get3A_12, %get3A_13] : memref<26x512x128xf32, #tpu.memory_space<vmem>>, vector<1x512x128xf32>
    %get3A_15 = vector.shape_cast %get3A_14 : vector<1x512x128xf32> to vector<512x128xf32>
    %get3A_16 = arith.constant 0 : index
    %get3A_17 = arith.constant 1 : index
    %get3A_18 = vector.load %arg3[%get3A_16, %get3A_17] : memref<512x26xf32, #tpu.memory_space<vmem>>, vector<512x1xf32>
    %gt3A_19 = arith.constant 5.000000e-01 : f32
    %gt3A_20 = vector.broadcast %gt3A_19 : f32 to vector<512x1xf32>
    %gt3A_21 = arith.cmpf ogt, %get3A_18, %gt3A_20 : vector<512x1xf32>
    %slice3A_22 = vector.extract_strided_slice %get3A_15 {offsets = [0, 64], sizes = [512, 64], strides = [1, 1]} : vector<512x128xf32> to vector<512x64xf32>
    %slice3A_23 = vector.extract_strided_slice %get3A_15 {offsets = [0, 0], sizes = [512, 64], strides = [1, 1]} : vector<512x128xf32> to vector<512x64xf32>
    %broadcast_in_dim3A_24 = vector.shape_cast %gt3A_21 : vector<512x1xi1> to vector<512x1xi1>
    %broadcast_in_dim3A_25 = vector.broadcast %broadcast_in_dim3A_24 : vector<512x1xi1> to vector<512x64xi1>
    %select_n3A_26 = arith.select %broadcast_in_dim3A_25, %slice3A_22, %slice3A_23 : vector<512x64xi1>, vector<512x64xf32>
    %convert_element_type3A_27 = arith.truncf %select_n3A_26 : vector<512x64xf32> to vector<512x64xbf16>
    %get3A_28 = arith.constant 2 : index
    %get3A_29 = arith.constant 0 : index
    %get3A_30 = arith.constant 0 : index
    %get3A_31 = vector.load %arg2[%get3A_28, %get3A_29, %get3A_30] : memref<26x512x128xf32, #tpu.memory_space<vmem>>, vector<1x512x128xf32>
    %get3A_32 = vector.shape_cast %get3A_31 : vector<1x512x128xf32> to vector<512x128xf32>
    %get3A_33 = arith.constant 0 : index
    %get3A_34 = arith.constant 2 : index
    %get3A_35 = vector.load %arg3[%get3A_33, %get3A_34] : memref<512x26xf32, #tpu.memory_space<vmem>>, vector<512x1xf32>
    %gt3A_36 = arith.constant 5.000000e-01 : f32
    %gt3A_37 = vector.broadcast %gt3A_36 : f32 to vector<512x1xf32>
    %gt3A_38 = arith.cmpf ogt, %get3A_35, %gt3A_37 : vector<512x1xf32>
    %slice3A_39 = vector.extract_strided_slice %get3A_32 {offsets = [0, 64], sizes = [512, 64], strides = [1, 1]} : vector<512x128xf32> to vector<512x64xf32>
    %slice3A_40 = vector.extract_strided_slice %get3A_32 {offsets = [0, 0], sizes = [512, 64], strides = [1, 1]} : vector<512x128xf32> to vector<512x64xf32>
    %broadcast_in_dim3A_41 = vector.shape_cast %gt3A_38 : vector<512x1xi1> to vector<512x1xi1>
    %broadcast_in_dim3A_42 = vector.broadcast %broadcast_in_dim3A_41 : vector<512x1xi1> to vector<512x64xi1>
    %select_n3A_43 = arith.select %broadcast_in_dim3A_42, %slice3A_39, %slice3A_40 : vector<512x64xi1>, vector<512x64xf32>
    %convert_element_type3A_44 = arith.truncf %select_n3A_43 : vector<512x64xf32> to vector<512x64xbf16>
    %get3A_45 = arith.constant 3 : index
    %get3A_46 = arith.constant 0 : index
    %get3A_47 = arith.constant 0 : index
    %get3A_48 = vector.load %arg2[%get3A_45, %get3A_46, %get3A_47] : memref<26x512x128xf32, #tpu.memory_space<vmem>>, vector<1x512x128xf32>
    %get3A_49 = vector.shape_cast %get3A_48 : vector<1x512x128xf32> to vector<512x128xf32>
    %get3A_50 = arith.constant 0 : index
    %get3A_51 = arith.constant 3 : index
    %get3A_52 = vector.load %arg3[%get3A_50, %get3A_51] : memref<512x26xf32, #tpu.memory_space<vmem>>, vector<512x1xf32>
    %gt3A_53 = arith.constant 5.000000e-01 : f32
    %gt3A_54 = vector.broadcast %gt3A_53 : f32 to vector<512x1xf32>
    %gt3A_55 = arith.cmpf ogt, %get3A_52, %gt3A_54 : vector<512x1xf32>
    %slice3A_56 = vector.extract_strided_slice %get3A_49 {offsets = [0, 64], sizes = [512, 64], strides = [1, 1]} : vector<512x128xf32> to vector<512x64xf32>
    %slice3A_57 = vector.extract_strided_slice %get3A_49 {offsets = [0, 0], sizes = [512, 64], strides = [1, 1]} : vector<512x128xf32> to vector<512x64xf32>
    %broadcast_in_dim3A_58 = vector.shape_cast %gt3A_55 : vector<512x1xi1> to vector<512x1xi1>
    %broadcast_in_dim3A_59 = vector.broadcast %broadcast_in_dim3A_58 : vector<512x1xi1> to vector<512x64xi1>
    %select_n3A_60 = arith.select %broadcast_in_dim3A_59, %slice3A_56, %slice3A_57 : vector<512x64xi1>, vector<512x64xf32>
    %convert_element_type3A_61 = arith.truncf %select_n3A_60 : vector<512x64xf32> to vector<512x64xbf16>
    %get3A_62 = arith.constant 4 : index
    %get3A_63 = arith.constant 0 : index
    %get3A_64 = arith.constant 0 : index
    %get3A_65 = vector.load %arg2[%get3A_62, %get3A_63, %get3A_64] : memref<26x512x128xf32, #tpu.memory_space<vmem>>, vector<1x512x128xf32>
    %get3A_66 = vector.shape_cast %get3A_65 : vector<1x512x128xf32> to vector<512x128xf32>
    %get3A_67 = arith.constant 0 : index
    %get3A_68 = arith.constant 4 : index
    %get3A_69 = vector.load %arg3[%get3A_67, %get3A_68] : memref<512x26xf32, #tpu.memory_space<vmem>>, vector<512x1xf32>
    %gt3A_70 = arith.constant 5.000000e-01 : f32
    %gt3A_71 = vector.broadcast %gt3A_70 : f32 to vector<512x1xf32>
    %gt3A_72 = arith.cmpf ogt, %get3A_69, %gt3A_71 : vector<512x1xf32>
    %slice3A_73 = vector.extract_strided_slice %get3A_66 {offsets = [0, 64], sizes = [512, 64], strides = [1, 1]} : vector<512x128xf32> to vector<512x64xf32>
    %slice3A_74 = vector.extract_strided_slice %get3A_66 {offsets = [0, 0], sizes = [512, 64], strides = [1, 1]} : vector<512x128xf32> to vector<512x64xf32>
    %broadcast_in_dim3A_75 = vector.shape_cast %gt3A_72 : vector<512x1xi1> to vector<512x1xi1>
    %broadcast_in_dim3A_76 = vector.broadcast %broadcast_in_dim3A_75 : vector<512x1xi1> to vector<512x64xi1>
    %select_n3A_77 = arith.select %broadcast_in_dim3A_76, %slice3A_73, %slice3A_74 : vector<512x64xi1>, vector<512x64xf32>
    %convert_element_type3A_78 = arith.truncf %select_n3A_77 : vector<512x64xf32> to vector<512x64xbf16>
    %get3A_79 = arith.constant 5 : index
    %get3A_80 = arith.constant 0 : index
    %get3A_81 = arith.constant 0 : index
    %get3A_82 = vector.load %arg2[%get3A_79, %get3A_80, %get3A_81] : memref<26x512x128xf32, #tpu.memory_space<vmem>>, vector<1x512x128xf32>
    %get3A_83 = vector.shape_cast %get3A_82 : vector<1x512x128xf32> to vector<512x128xf32>
    %get3A_84 = arith.constant 0 : index
    %get3A_85 = arith.constant 5 : index
    %get3A_86 = vector.load %arg3[%get3A_84, %get3A_85] : memref<512x26xf32, #tpu.memory_space<vmem>>, vector<512x1xf32>
    %gt3A_87 = arith.constant 5.000000e-01 : f32
    %gt3A_88 = vector.broadcast %gt3A_87 : f32 to vector<512x1xf32>
    %gt3A_89 = arith.cmpf ogt, %get3A_86, %gt3A_88 : vector<512x1xf32>
    %slice3A_90 = vector.extract_strided_slice %get3A_83 {offsets = [0, 64], sizes = [512, 64], strides = [1, 1]} : vector<512x128xf32> to vector<512x64xf32>
    %slice3A_91 = vector.extract_strided_slice %get3A_83 {offsets = [0, 0], sizes = [512, 64], strides = [1, 1]} : vector<512x128xf32> to vector<512x64xf32>
    %broadcast_in_dim3A_92 = vector.shape_cast %gt3A_89 : vector<512x1xi1> to vector<512x1xi1>
    %broadcast_in_dim3A_93 = vector.broadcast %broadcast_in_dim3A_92 : vector<512x1xi1> to vector<512x64xi1>
    %select_n3A_94 = arith.select %broadcast_in_dim3A_93, %slice3A_90, %slice3A_91 : vector<512x64xi1>, vector<512x64xf32>
    %convert_element_type3A_95 = arith.truncf %select_n3A_94 : vector<512x64xf32> to vector<512x64xbf16>
    %get3A_96 = arith.constant 6 : index
    %get3A_97 = arith.constant 0 : index
    %get3A_98 = arith.constant 0 : index
    %get3A_99 = vector.load %arg2[%get3A_96, %get3A_97, %get3A_98] : memref<26x512x128xf32, #tpu.memory_space<vmem>>, vector<1x512x128xf32>
    %get3A_100 = vector.shape_cast %get3A_99 : vector<1x512x128xf32> to vector<512x128xf32>
    %get3A_101 = arith.constant 0 : index
    %get3A_102 = arith.constant 6 : index
    %get3A_103 = vector.load %arg3[%get3A_101, %get3A_102] : memref<512x26xf32, #tpu.memory_space<vmem>>, vector<512x1xf32>
    %gt3A_104 = arith.constant 5.000000e-01 : f32
    %gt3A_105 = vector.broadcast %gt3A_104 : f32 to vector<512x1xf32>
    %gt3A_106 = arith.cmpf ogt, %get3A_103, %gt3A_105 : vector<512x1xf32>
    %slice3A_107 = vector.extract_strided_slice %get3A_100 {offsets = [0, 64], sizes = [512, 64], strides = [1, 1]} : vector<512x128xf32> to vector<512x64xf32>
    %slice3A_108 = vector.extract_strided_slice %get3A_100 {offsets = [0, 0], sizes = [512, 64], strides = [1, 1]} : vector<512x128xf32> to vector<512x64xf32>
    %broadcast_in_dim3A_109 = vector.shape_cast %gt3A_106 : vector<512x1xi1> to vector<512x1xi1>
    %broadcast_in_dim3A_110 = vector.broadcast %broadcast_in_dim3A_109 : vector<512x1xi1> to vector<512x64xi1>
    %select_n3A_111 = arith.select %broadcast_in_dim3A_110, %slice3A_107, %slice3A_108 : vector<512x64xi1>, vector<512x64xf32>
    %convert_element_type3A_112 = arith.truncf %select_n3A_111 : vector<512x64xf32> to vector<512x64xbf16>
    %get3A_113 = arith.constant 7 : index
    %get3A_114 = arith.constant 0 : index
    %get3A_115 = arith.constant 0 : index
    %get3A_116 = vector.load %arg2[%get3A_113, %get3A_114, %get3A_115] : memref<26x512x128xf32, #tpu.memory_space<vmem>>, vector<1x512x128xf32>
    %get3A_117 = vector.shape_cast %get3A_116 : vector<1x512x128xf32> to vector<512x128xf32>
    %get3A_118 = arith.constant 0 : index
    %get3A_119 = arith.constant 7 : index
    %get3A_120 = vector.load %arg3[%get3A_118, %get3A_119] : memref<512x26xf32, #tpu.memory_space<vmem>>, vector<512x1xf32>
    %gt3A_121 = arith.constant 5.000000e-01 : f32
    %gt3A_122 = vector.broadcast %gt3A_121 : f32 to vector<512x1xf32>
    %gt3A_123 = arith.cmpf ogt, %get3A_120, %gt3A_122 : vector<512x1xf32>
    %slice3A_124 = vector.extract_strided_slice %get3A_117 {offsets = [0, 64], sizes = [512, 64], strides = [1, 1]} : vector<512x128xf32> to vector<512x64xf32>
    %slice3A_125 = vector.extract_strided_slice %get3A_117 {offsets = [0, 0], sizes = [512, 64], strides = [1, 1]} : vector<512x128xf32> to vector<512x64xf32>
    %broadcast_in_dim3A_126 = vector.shape_cast %gt3A_123 : vector<512x1xi1> to vector<512x1xi1>
    %broadcast_in_dim3A_127 = vector.broadcast %broadcast_in_dim3A_126 : vector<512x1xi1> to vector<512x64xi1>
    %select_n3A_128 = arith.select %broadcast_in_dim3A_127, %slice3A_124, %slice3A_125 : vector<512x64xi1>, vector<512x64xf32>
    %convert_element_type3A_129 = arith.truncf %select_n3A_128 : vector<512x64xf32> to vector<512x64xbf16>
    %get3A_130 = arith.constant 8 : index
    %get3A_131 = arith.constant 0 : index
    %get3A_132 = arith.constant 0 : index
    %get3A_133 = vector.load %arg2[%get3A_130, %get3A_131, %get3A_132] : memref<26x512x128xf32, #tpu.memory_space<vmem>>, vector<1x512x128xf32>
    %get3A_134 = vector.shape_cast %get3A_133 : vector<1x512x128xf32> to vector<512x128xf32>
    %get3A_135 = arith.constant 0 : index
    %get3A_136 = arith.constant 8 : index
    %get3A_137 = vector.load %arg3[%get3A_135, %get3A_136] : memref<512x26xf32, #tpu.memory_space<vmem>>, vector<512x1xf32>
    %gt3A_138 = arith.constant 5.000000e-01 : f32
    %gt3A_139 = vector.broadcast %gt3A_138 : f32 to vector<512x1xf32>
    %gt3A_140 = arith.cmpf ogt, %get3A_137, %gt3A_139 : vector<512x1xf32>
    %slice3A_141 = vector.extract_strided_slice %get3A_134 {offsets = [0, 64], sizes = [512, 64], strides = [1, 1]} : vector<512x128xf32> to vector<512x64xf32>
    %slice3A_142 = vector.extract_strided_slice %get3A_134 {offsets = [0, 0], sizes = [512, 64], strides = [1, 1]} : vector<512x128xf32> to vector<512x64xf32>
    %broadcast_in_dim3A_143 = vector.shape_cast %gt3A_140 : vector<512x1xi1> to vector<512x1xi1>
    %broadcast_in_dim3A_144 = vector.broadcast %broadcast_in_dim3A_143 : vector<512x1xi1> to vector<512x64xi1>
    %select_n3A_145 = arith.select %broadcast_in_dim3A_144, %slice3A_141, %slice3A_142 : vector<512x64xi1>, vector<512x64xf32>
    %convert_element_type3A_146 = arith.truncf %select_n3A_145 : vector<512x64xf32> to vector<512x64xbf16>
    %get3A_147 = arith.constant 9 : index
    %get3A_148 = arith.constant 0 : index
    %get3A_149 = arith.constant 0 : index
    %get3A_150 = vector.load %arg2[%get3A_147, %get3A_148, %get3A_149] : memref<26x512x128xf32, #tpu.memory_space<vmem>>, vector<1x512x128xf32>
    %get3A_151 = vector.shape_cast %get3A_150 : vector<1x512x128xf32> to vector<512x128xf32>
    %get3A_152 = arith.constant 0 : index
    %get3A_153 = arith.constant 9 : index
    %get3A_154 = vector.load %arg3[%get3A_152, %get3A_153] : memref<512x26xf32, #tpu.memory_space<vmem>>, vector<512x1xf32>
    %gt3A_155 = arith.constant 5.000000e-01 : f32
    %gt3A_156 = vector.broadcast %gt3A_155 : f32 to vector<512x1xf32>
    %gt3A_157 = arith.cmpf ogt, %get3A_154, %gt3A_156 : vector<512x1xf32>
    %slice3A_158 = vector.extract_strided_slice %get3A_151 {offsets = [0, 64], sizes = [512, 64], strides = [1, 1]} : vector<512x128xf32> to vector<512x64xf32>
    %slice3A_159 = vector.extract_strided_slice %get3A_151 {offsets = [0, 0], sizes = [512, 64], strides = [1, 1]} : vector<512x128xf32> to vector<512x64xf32>
    %broadcast_in_dim3A_160 = vector.shape_cast %gt3A_157 : vector<512x1xi1> to vector<512x1xi1>
    %broadcast_in_dim3A_161 = vector.broadcast %broadcast_in_dim3A_160 : vector<512x1xi1> to vector<512x64xi1>
    %select_n3A_162 = arith.select %broadcast_in_dim3A_161, %slice3A_158, %slice3A_159 : vector<512x64xi1>, vector<512x64xf32>
    %convert_element_type3A_163 = arith.truncf %select_n3A_162 : vector<512x64xf32> to vector<512x64xbf16>
    %get3A_164 = arith.constant 10 : index
    %get3A_165 = arith.constant 0 : index
    %get3A_166 = arith.constant 0 : index
    %get3A_167 = vector.load %arg2[%get3A_164, %get3A_165, %get3A_166] : memref<26x512x128xf32, #tpu.memory_space<vmem>>, vector<1x512x128xf32>
    %get3A_168 = vector.shape_cast %get3A_167 : vector<1x512x128xf32> to vector<512x128xf32>
    %get3A_169 = arith.constant 0 : index
    %get3A_170 = arith.constant 10 : index
    %get3A_171 = vector.load %arg3[%get3A_169, %get3A_170] : memref<512x26xf32, #tpu.memory_space<vmem>>, vector<512x1xf32>
    %gt3A_172 = arith.constant 5.000000e-01 : f32
    %gt3A_173 = vector.broadcast %gt3A_172 : f32 to vector<512x1xf32>
    %gt3A_174 = arith.cmpf ogt, %get3A_171, %gt3A_173 : vector<512x1xf32>
    %slice3A_175 = vector.extract_strided_slice %get3A_168 {offsets = [0, 64], sizes = [512, 64], strides = [1, 1]} : vector<512x128xf32> to vector<512x64xf32>
    %slice3A_176 = vector.extract_strided_slice %get3A_168 {offsets = [0, 0], sizes = [512, 64], strides = [1, 1]} : vector<512x128xf32> to vector<512x64xf32>
    %broadcast_in_dim3A_177 = vector.shape_cast %gt3A_174 : vector<512x1xi1> to vector<512x1xi1>
    %broadcast_in_dim3A_178 = vector.broadcast %broadcast_in_dim3A_177 : vector<512x1xi1> to vector<512x64xi1>
    %select_n3A_179 = arith.select %broadcast_in_dim3A_178, %slice3A_175, %slice3A_176 : vector<512x64xi1>, vector<512x64xf32>
    %convert_element_type3A_180 = arith.truncf %select_n3A_179 : vector<512x64xf32> to vector<512x64xbf16>
    %get3A_181 = arith.constant 11 : index
    %get3A_182 = arith.constant 0 : index
    %get3A_183 = arith.constant 0 : index
    %get3A_184 = vector.load %arg2[%get3A_181, %get3A_182, %get3A_183] : memref<26x512x128xf32, #tpu.memory_space<vmem>>, vector<1x512x128xf32>
    %get3A_185 = vector.shape_cast %get3A_184 : vector<1x512x128xf32> to vector<512x128xf32>
    %get3A_186 = arith.constant 0 : index
    %get3A_187 = arith.constant 11 : index
    %get3A_188 = vector.load %arg3[%get3A_186, %get3A_187] : memref<512x26xf32, #tpu.memory_space<vmem>>, vector<512x1xf32>
    %gt3A_189 = arith.constant 5.000000e-01 : f32
    %gt3A_190 = vector.broadcast %gt3A_189 : f32 to vector<512x1xf32>
    %gt3A_191 = arith.cmpf ogt, %get3A_188, %gt3A_190 : vector<512x1xf32>
    %slice3A_192 = vector.extract_strided_slice %get3A_185 {offsets = [0, 64], sizes = [512, 64], strides = [1, 1]} : vector<512x128xf32> to vector<512x64xf32>
    %slice3A_193 = vector.extract_strided_slice %get3A_185 {offsets = [0, 0], sizes = [512, 64], strides = [1, 1]} : vector<512x128xf32> to vector<512x64xf32>
    %broadcast_in_dim3A_194 = vector.shape_cast %gt3A_191 : vector<512x1xi1> to vector<512x1xi1>
    %broadcast_in_dim3A_195 = vector.broadcast %broadcast_in_dim3A_194 : vector<512x1xi1> to vector<512x64xi1>
    %select_n3A_196 = arith.select %broadcast_in_dim3A_195, %slice3A_192, %slice3A_193 : vector<512x64xi1>, vector<512x64xf32>
    %convert_element_type3A_197 = arith.truncf %select_n3A_196 : vector<512x64xf32> to vector<512x64xbf16>
    %get3A_198 = arith.constant 12 : index
    %get3A_199 = arith.constant 0 : index
    %get3A_200 = arith.constant 0 : index
    %get3A_201 = vector.load %arg2[%get3A_198, %get3A_199, %get3A_200] : memref<26x512x128xf32, #tpu.memory_space<vmem>>, vector<1x512x128xf32>
    %get3A_202 = vector.shape_cast %get3A_201 : vector<1x512x128xf32> to vector<512x128xf32>
    %get3A_203 = arith.constant 0 : index
    %get3A_204 = arith.constant 12 : index
    %get3A_205 = vector.load %arg3[%get3A_203, %get3A_204] : memref<512x26xf32, #tpu.memory_space<vmem>>, vector<512x1xf32>
    %gt3A_206 = arith.constant 5.000000e-01 : f32
    %gt3A_207 = vector.broadcast %gt3A_206 : f32 to vector<512x1xf32>
    %gt3A_208 = arith.cmpf ogt, %get3A_205, %gt3A_207 : vector<512x1xf32>
    %slice3A_209 = vector.extract_strided_slice %get3A_202 {offsets = [0, 64], sizes = [512, 64], strides = [1, 1]} : vector<512x128xf32> to vector<512x64xf32>
    %slice3A_210 = vector.extract_strided_slice %get3A_202 {offsets = [0, 0], sizes = [512, 64], strides = [1, 1]} : vector<512x128xf32> to vector<512x64xf32>
    %broadcast_in_dim3A_211 = vector.shape_cast %gt3A_208 : vector<512x1xi1> to vector<512x1xi1>
    %broadcast_in_dim3A_212 = vector.broadcast %broadcast_in_dim3A_211 : vector<512x1xi1> to vector<512x64xi1>
    %select_n3A_213 = arith.select %broadcast_in_dim3A_212, %slice3A_209, %slice3A_210 : vector<512x64xi1>, vector<512x64xf32>
    %convert_element_type3A_214 = arith.truncf %select_n3A_213 : vector<512x64xf32> to vector<512x64xbf16>
    %get3A_215 = arith.constant 13 : index
    %get3A_216 = arith.constant 0 : index
    %get3A_217 = arith.constant 0 : index
    %get3A_218 = vector.load %arg2[%get3A_215, %get3A_216, %get3A_217] : memref<26x512x128xf32, #tpu.memory_space<vmem>>, vector<1x512x128xf32>
    %get3A_219 = vector.shape_cast %get3A_218 : vector<1x512x128xf32> to vector<512x128xf32>
    %get3A_220 = arith.constant 0 : index
    %get3A_221 = arith.constant 13 : index
    %get3A_222 = vector.load %arg3[%get3A_220, %get3A_221] : memref<512x26xf32, #tpu.memory_space<vmem>>, vector<512x1xf32>
    %gt3A_223 = arith.constant 5.000000e-01 : f32
    %gt3A_224 = vector.broadcast %gt3A_223 : f32 to vector<512x1xf32>
    %gt3A_225 = arith.cmpf ogt, %get3A_222, %gt3A_224 : vector<512x1xf32>
    %slice3A_226 = vector.extract_strided_slice %get3A_219 {offsets = [0, 64], sizes = [512, 64], strides = [1, 1]} : vector<512x128xf32> to vector<512x64xf32>
    %slice3A_227 = vector.extract_strided_slice %get3A_219 {offsets = [0, 0], sizes = [512, 64], strides = [1, 1]} : vector<512x128xf32> to vector<512x64xf32>
    %broadcast_in_dim3A_228 = vector.shape_cast %gt3A_225 : vector<512x1xi1> to vector<512x1xi1>
    %broadcast_in_dim3A_229 = vector.broadcast %broadcast_in_dim3A_228 : vector<512x1xi1> to vector<512x64xi1>
    %select_n3A_230 = arith.select %broadcast_in_dim3A_229, %slice3A_226, %slice3A_227 : vector<512x64xi1>, vector<512x64xf32>
    %convert_element_type3A_231 = arith.truncf %select_n3A_230 : vector<512x64xf32> to vector<512x64xbf16>
    %get3A_232 = arith.constant 14 : index
    %get3A_233 = arith.constant 0 : index
    %get3A_234 = arith.constant 0 : index
    %get3A_235 = vector.load %arg2[%get3A_232, %get3A_233, %get3A_234] : memref<26x512x128xf32, #tpu.memory_space<vmem>>, vector<1x512x128xf32>
    %get3A_236 = vector.shape_cast %get3A_235 : vector<1x512x128xf32> to vector<512x128xf32>
    %get3A_237 = arith.constant 0 : index
    %get3A_238 = arith.constant 14 : index
    %get3A_239 = vector.load %arg3[%get3A_237, %get3A_238] : memref<512x26xf32, #tpu.memory_space<vmem>>, vector<512x1xf32>
    %gt3A_240 = arith.constant 5.000000e-01 : f32
    %gt3A_241 = vector.broadcast %gt3A_240 : f32 to vector<512x1xf32>
    %gt3A_242 = arith.cmpf ogt, %get3A_239, %gt3A_241 : vector<512x1xf32>
    %slice3A_243 = vector.extract_strided_slice %get3A_236 {offsets = [0, 64], sizes = [512, 64], strides = [1, 1]} : vector<512x128xf32> to vector<512x64xf32>
    %slice3A_244 = vector.extract_strided_slice %get3A_236 {offsets = [0, 0], sizes = [512, 64], strides = [1, 1]} : vector<512x128xf32> to vector<512x64xf32>
    %broadcast_in_dim3A_245 = vector.shape_cast %gt3A_242 : vector<512x1xi1> to vector<512x1xi1>
    %broadcast_in_dim3A_246 = vector.broadcast %broadcast_in_dim3A_245 : vector<512x1xi1> to vector<512x64xi1>
    %select_n3A_247 = arith.select %broadcast_in_dim3A_246, %slice3A_243, %slice3A_244 : vector<512x64xi1>, vector<512x64xf32>
    %convert_element_type3A_248 = arith.truncf %select_n3A_247 : vector<512x64xf32> to vector<512x64xbf16>
    %get3A_249 = arith.constant 15 : index
    %get3A_250 = arith.constant 0 : index
    %get3A_251 = arith.constant 0 : index
    %get3A_252 = vector.load %arg2[%get3A_249, %get3A_250, %get3A_251] : memref<26x512x128xf32, #tpu.memory_space<vmem>>, vector<1x512x128xf32>
    %get3A_253 = vector.shape_cast %get3A_252 : vector<1x512x128xf32> to vector<512x128xf32>
    %get3A_254 = arith.constant 0 : index
    %get3A_255 = arith.constant 15 : index
    %get3A_256 = vector.load %arg3[%get3A_254, %get3A_255] : memref<512x26xf32, #tpu.memory_space<vmem>>, vector<512x1xf32>
    %gt3A_257 = arith.constant 5.000000e-01 : f32
    %gt3A_258 = vector.broadcast %gt3A_257 : f32 to vector<512x1xf32>
    %gt3A_259 = arith.cmpf ogt, %get3A_256, %gt3A_258 : vector<512x1xf32>
    %slice3A_260 = vector.extract_strided_slice %get3A_253 {offsets = [0, 64], sizes = [512, 64], strides = [1, 1]} : vector<512x128xf32> to vector<512x64xf32>
    %slice3A_261 = vector.extract_strided_slice %get3A_253 {offsets = [0, 0], sizes = [512, 64], strides = [1, 1]} : vector<512x128xf32> to vector<512x64xf32>
    %broadcast_in_dim3A_262 = vector.shape_cast %gt3A_259 : vector<512x1xi1> to vector<512x1xi1>
    %broadcast_in_dim3A_263 = vector.broadcast %broadcast_in_dim3A_262 : vector<512x1xi1> to vector<512x64xi1>
    %select_n3A_264 = arith.select %broadcast_in_dim3A_263, %slice3A_260, %slice3A_261 : vector<512x64xi1>, vector<512x64xf32>
    %convert_element_type3A_265 = arith.truncf %select_n3A_264 : vector<512x64xf32> to vector<512x64xbf16>
    %get3A_266 = arith.constant 16 : index
    %get3A_267 = arith.constant 0 : index
    %get3A_268 = arith.constant 0 : index
    %get3A_269 = vector.load %arg2[%get3A_266, %get3A_267, %get3A_268] : memref<26x512x128xf32, #tpu.memory_space<vmem>>, vector<1x512x128xf32>
    %get3A_270 = vector.shape_cast %get3A_269 : vector<1x512x128xf32> to vector<512x128xf32>
    %get3A_271 = arith.constant 0 : index
    %get3A_272 = arith.constant 16 : index
    %get3A_273 = vector.load %arg3[%get3A_271, %get3A_272] : memref<512x26xf32, #tpu.memory_space<vmem>>, vector<512x1xf32>
    %gt3A_274 = arith.constant 5.000000e-01 : f32
    %gt3A_275 = vector.broadcast %gt3A_274 : f32 to vector<512x1xf32>
    %gt3A_276 = arith.cmpf ogt, %get3A_273, %gt3A_275 : vector<512x1xf32>
    %slice3A_277 = vector.extract_strided_slice %get3A_270 {offsets = [0, 64], sizes = [512, 64], strides = [1, 1]} : vector<512x128xf32> to vector<512x64xf32>
    %slice3A_278 = vector.extract_strided_slice %get3A_270 {offsets = [0, 0], sizes = [512, 64], strides = [1, 1]} : vector<512x128xf32> to vector<512x64xf32>
    %broadcast_in_dim3A_279 = vector.shape_cast %gt3A_276 : vector<512x1xi1> to vector<512x1xi1>
    %broadcast_in_dim3A_280 = vector.broadcast %broadcast_in_dim3A_279 : vector<512x1xi1> to vector<512x64xi1>
    %select_n3A_281 = arith.select %broadcast_in_dim3A_280, %slice3A_277, %slice3A_278 : vector<512x64xi1>, vector<512x64xf32>
    %convert_element_type3A_282 = arith.truncf %select_n3A_281 : vector<512x64xf32> to vector<512x64xbf16>
    %get3A_283 = arith.constant 17 : index
    %get3A_284 = arith.constant 0 : index
    %get3A_285 = arith.constant 0 : index
    %get3A_286 = vector.load %arg2[%get3A_283, %get3A_284, %get3A_285] : memref<26x512x128xf32, #tpu.memory_space<vmem>>, vector<1x512x128xf32>
    %get3A_287 = vector.shape_cast %get3A_286 : vector<1x512x128xf32> to vector<512x128xf32>
    %get3A_288 = arith.constant 0 : index
    %get3A_289 = arith.constant 17 : index
    %get3A_290 = vector.load %arg3[%get3A_288, %get3A_289] : memref<512x26xf32, #tpu.memory_space<vmem>>, vector<512x1xf32>
    %gt3A_291 = arith.constant 5.000000e-01 : f32
    %gt3A_292 = vector.broadcast %gt3A_291 : f32 to vector<512x1xf32>
    %gt3A_293 = arith.cmpf ogt, %get3A_290, %gt3A_292 : vector<512x1xf32>
    %slice3A_294 = vector.extract_strided_slice %get3A_287 {offsets = [0, 64], sizes = [512, 64], strides = [1, 1]} : vector<512x128xf32> to vector<512x64xf32>
    %slice3A_295 = vector.extract_strided_slice %get3A_287 {offsets = [0, 0], sizes = [512, 64], strides = [1, 1]} : vector<512x128xf32> to vector<512x64xf32>
    %broadcast_in_dim3A_296 = vector.shape_cast %gt3A_293 : vector<512x1xi1> to vector<512x1xi1>
    %broadcast_in_dim3A_297 = vector.broadcast %broadcast_in_dim3A_296 : vector<512x1xi1> to vector<512x64xi1>
    %select_n3A_298 = arith.select %broadcast_in_dim3A_297, %slice3A_294, %slice3A_295 : vector<512x64xi1>, vector<512x64xf32>
    %convert_element_type3A_299 = arith.truncf %select_n3A_298 : vector<512x64xf32> to vector<512x64xbf16>
    %get3A_300 = arith.constant 18 : index
    %get3A_301 = arith.constant 0 : index
    %get3A_302 = arith.constant 0 : index
    %get3A_303 = vector.load %arg2[%get3A_300, %get3A_301, %get3A_302] : memref<26x512x128xf32, #tpu.memory_space<vmem>>, vector<1x512x128xf32>
    %get3A_304 = vector.shape_cast %get3A_303 : vector<1x512x128xf32> to vector<512x128xf32>
    %get3A_305 = arith.constant 0 : index
    %get3A_306 = arith.constant 18 : index
    %get3A_307 = vector.load %arg3[%get3A_305, %get3A_306] : memref<512x26xf32, #tpu.memory_space<vmem>>, vector<512x1xf32>
    %gt3A_308 = arith.constant 5.000000e-01 : f32
    %gt3A_309 = vector.broadcast %gt3A_308 : f32 to vector<512x1xf32>
    %gt3A_310 = arith.cmpf ogt, %get3A_307, %gt3A_309 : vector<512x1xf32>
    %slice3A_311 = vector.extract_strided_slice %get3A_304 {offsets = [0, 64], sizes = [512, 64], strides = [1, 1]} : vector<512x128xf32> to vector<512x64xf32>
    %slice3A_312 = vector.extract_strided_slice %get3A_304 {offsets = [0, 0], sizes = [512, 64], strides = [1, 1]} : vector<512x128xf32> to vector<512x64xf32>
    %broadcast_in_dim3A_313 = vector.shape_cast %gt3A_310 : vector<512x1xi1> to vector<512x1xi1>
    %broadcast_in_dim3A_314 = vector.broadcast %broadcast_in_dim3A_313 : vector<512x1xi1> to vector<512x64xi1>
    %select_n3A_315 = arith.select %broadcast_in_dim3A_314, %slice3A_311, %slice3A_312 : vector<512x64xi1>, vector<512x64xf32>
    %convert_element_type3A_316 = arith.truncf %select_n3A_315 : vector<512x64xf32> to vector<512x64xbf16>
    %get3A_317 = arith.constant 19 : index
    %get3A_318 = arith.constant 0 : index
    %get3A_319 = arith.constant 0 : index
    %get3A_320 = vector.load %arg2[%get3A_317, %get3A_318, %get3A_319] : memref<26x512x128xf32, #tpu.memory_space<vmem>>, vector<1x512x128xf32>
    %get3A_321 = vector.shape_cast %get3A_320 : vector<1x512x128xf32> to vector<512x128xf32>
    %get3A_322 = arith.constant 0 : index
    %get3A_323 = arith.constant 19 : index
    %get3A_324 = vector.load %arg3[%get3A_322, %get3A_323] : memref<512x26xf32, #tpu.memory_space<vmem>>, vector<512x1xf32>
    %gt3A_325 = arith.constant 5.000000e-01 : f32
    %gt3A_326 = vector.broadcast %gt3A_325 : f32 to vector<512x1xf32>
    %gt3A_327 = arith.cmpf ogt, %get3A_324, %gt3A_326 : vector<512x1xf32>
    %slice3A_328 = vector.extract_strided_slice %get3A_321 {offsets = [0, 64], sizes = [512, 64], strides = [1, 1]} : vector<512x128xf32> to vector<512x64xf32>
    %slice3A_329 = vector.extract_strided_slice %get3A_321 {offsets = [0, 0], sizes = [512, 64], strides = [1, 1]} : vector<512x128xf32> to vector<512x64xf32>
    %broadcast_in_dim3A_330 = vector.shape_cast %gt3A_327 : vector<512x1xi1> to vector<512x1xi1>
    %broadcast_in_dim3A_331 = vector.broadcast %broadcast_in_dim3A_330 : vector<512x1xi1> to vector<512x64xi1>
    %select_n3A_332 = arith.select %broadcast_in_dim3A_331, %slice3A_328, %slice3A_329 : vector<512x64xi1>, vector<512x64xf32>
    %convert_element_type3A_333 = arith.truncf %select_n3A_332 : vector<512x64xf32> to vector<512x64xbf16>
    %get3A_334 = arith.constant 20 : index
    %get3A_335 = arith.constant 0 : index
    %get3A_336 = arith.constant 0 : index
    %get3A_337 = vector.load %arg2[%get3A_334, %get3A_335, %get3A_336] : memref<26x512x128xf32, #tpu.memory_space<vmem>>, vector<1x512x128xf32>
    %get3A_338 = vector.shape_cast %get3A_337 : vector<1x512x128xf32> to vector<512x128xf32>
    %get3A_339 = arith.constant 0 : index
    %get3A_340 = arith.constant 20 : index
    %get3A_341 = vector.load %arg3[%get3A_339, %get3A_340] : memref<512x26xf32, #tpu.memory_space<vmem>>, vector<512x1xf32>
    %gt3A_342 = arith.constant 5.000000e-01 : f32
    %gt3A_343 = vector.broadcast %gt3A_342 : f32 to vector<512x1xf32>
    %gt3A_344 = arith.cmpf ogt, %get3A_341, %gt3A_343 : vector<512x1xf32>
    %slice3A_345 = vector.extract_strided_slice %get3A_338 {offsets = [0, 64], sizes = [512, 64], strides = [1, 1]} : vector<512x128xf32> to vector<512x64xf32>
    %slice3A_346 = vector.extract_strided_slice %get3A_338 {offsets = [0, 0], sizes = [512, 64], strides = [1, 1]} : vector<512x128xf32> to vector<512x64xf32>
    %broadcast_in_dim3A_347 = vector.shape_cast %gt3A_344 : vector<512x1xi1> to vector<512x1xi1>
    %broadcast_in_dim3A_348 = vector.broadcast %broadcast_in_dim3A_347 : vector<512x1xi1> to vector<512x64xi1>
    %select_n3A_349 = arith.select %broadcast_in_dim3A_348, %slice3A_345, %slice3A_346 : vector<512x64xi1>, vector<512x64xf32>
    %convert_element_type3A_350 = arith.truncf %select_n3A_349 : vector<512x64xf32> to vector<512x64xbf16>
    %get3A_351 = arith.constant 21 : index
    %get3A_352 = arith.constant 0 : index
    %get3A_353 = arith.constant 0 : index
    %get3A_354 = vector.load %arg2[%get3A_351, %get3A_352, %get3A_353] : memref<26x512x128xf32, #tpu.memory_space<vmem>>, vector<1x512x128xf32>
    %get3A_355 = vector.shape_cast %get3A_354 : vector<1x512x128xf32> to vector<512x128xf32>
    %get3A_356 = arith.constant 0 : index
    %get3A_357 = arith.constant 21 : index
    %get3A_358 = vector.load %arg3[%get3A_356, %get3A_357] : memref<512x26xf32, #tpu.memory_space<vmem>>, vector<512x1xf32>
    %gt3A_359 = arith.constant 5.000000e-01 : f32
    %gt3A_360 = vector.broadcast %gt3A_359 : f32 to vector<512x1xf32>
    %gt3A_361 = arith.cmpf ogt, %get3A_358, %gt3A_360 : vector<512x1xf32>
    %slice3A_362 = vector.extract_strided_slice %get3A_355 {offsets = [0, 64], sizes = [512, 64], strides = [1, 1]} : vector<512x128xf32> to vector<512x64xf32>
    %slice3A_363 = vector.extract_strided_slice %get3A_355 {offsets = [0, 0], sizes = [512, 64], strides = [1, 1]} : vector<512x128xf32> to vector<512x64xf32>
    %broadcast_in_dim3A_364 = vector.shape_cast %gt3A_361 : vector<512x1xi1> to vector<512x1xi1>
    %broadcast_in_dim3A_365 = vector.broadcast %broadcast_in_dim3A_364 : vector<512x1xi1> to vector<512x64xi1>
    %select_n3A_366 = arith.select %broadcast_in_dim3A_365, %slice3A_362, %slice3A_363 : vector<512x64xi1>, vector<512x64xf32>
    %convert_element_type3A_367 = arith.truncf %select_n3A_366 : vector<512x64xf32> to vector<512x64xbf16>
    %get3A_368 = arith.constant 22 : index
    %get3A_369 = arith.constant 0 : index
    %get3A_370 = arith.constant 0 : index
    %get3A_371 = vector.load %arg2[%get3A_368, %get3A_369, %get3A_370] : memref<26x512x128xf32, #tpu.memory_space<vmem>>, vector<1x512x128xf32>
    %get3A_372 = vector.shape_cast %get3A_371 : vector<1x512x128xf32> to vector<512x128xf32>
    %get3A_373 = arith.constant 0 : index
    %get3A_374 = arith.constant 22 : index
    %get3A_375 = vector.load %arg3[%get3A_373, %get3A_374] : memref<512x26xf32, #tpu.memory_space<vmem>>, vector<512x1xf32>
    %gt3A_376 = arith.constant 5.000000e-01 : f32
    %gt3A_377 = vector.broadcast %gt3A_376 : f32 to vector<512x1xf32>
    %gt3A_378 = arith.cmpf ogt, %get3A_375, %gt3A_377 : vector<512x1xf32>
    %slice3A_379 = vector.extract_strided_slice %get3A_372 {offsets = [0, 64], sizes = [512, 64], strides = [1, 1]} : vector<512x128xf32> to vector<512x64xf32>
    %slice3A_380 = vector.extract_strided_slice %get3A_372 {offsets = [0, 0], sizes = [512, 64], strides = [1, 1]} : vector<512x128xf32> to vector<512x64xf32>
    %broadcast_in_dim3A_381 = vector.shape_cast %gt3A_378 : vector<512x1xi1> to vector<512x1xi1>
    %broadcast_in_dim3A_382 = vector.broadcast %broadcast_in_dim3A_381 : vector<512x1xi1> to vector<512x64xi1>
    %select_n3A_383 = arith.select %broadcast_in_dim3A_382, %slice3A_379, %slice3A_380 : vector<512x64xi1>, vector<512x64xf32>
    %convert_element_type3A_384 = arith.truncf %select_n3A_383 : vector<512x64xf32> to vector<512x64xbf16>
    %get3A_385 = arith.constant 23 : index
    %get3A_386 = arith.constant 0 : index
    %get3A_387 = arith.constant 0 : index
    %get3A_388 = vector.load %arg2[%get3A_385, %get3A_386, %get3A_387] : memref<26x512x128xf32, #tpu.memory_space<vmem>>, vector<1x512x128xf32>
    %get3A_389 = vector.shape_cast %get3A_388 : vector<1x512x128xf32> to vector<512x128xf32>
    %get3A_390 = arith.constant 0 : index
    %get3A_391 = arith.constant 23 : index
    %get3A_392 = vector.load %arg3[%get3A_390, %get3A_391] : memref<512x26xf32, #tpu.memory_space<vmem>>, vector<512x1xf32>
    %gt3A_393 = arith.constant 5.000000e-01 : f32
    %gt3A_394 = vector.broadcast %gt3A_393 : f32 to vector<512x1xf32>
    %gt3A_395 = arith.cmpf ogt, %get3A_392, %gt3A_394 : vector<512x1xf32>
    %slice3A_396 = vector.extract_strided_slice %get3A_389 {offsets = [0, 64], sizes = [512, 64], strides = [1, 1]} : vector<512x128xf32> to vector<512x64xf32>
    %slice3A_397 = vector.extract_strided_slice %get3A_389 {offsets = [0, 0], sizes = [512, 64], strides = [1, 1]} : vector<512x128xf32> to vector<512x64xf32>
    %broadcast_in_dim3A_398 = vector.shape_cast %gt3A_395 : vector<512x1xi1> to vector<512x1xi1>
    %broadcast_in_dim3A_399 = vector.broadcast %broadcast_in_dim3A_398 : vector<512x1xi1> to vector<512x64xi1>
    %select_n3A_400 = arith.select %broadcast_in_dim3A_399, %slice3A_396, %slice3A_397 : vector<512x64xi1>, vector<512x64xf32>
    %convert_element_type3A_401 = arith.truncf %select_n3A_400 : vector<512x64xf32> to vector<512x64xbf16>
    %get3A_402 = arith.constant 24 : index
    %get3A_403 = arith.constant 0 : index
    %get3A_404 = arith.constant 0 : index
    %get3A_405 = vector.load %arg2[%get3A_402, %get3A_403, %get3A_404] : memref<26x512x128xf32, #tpu.memory_space<vmem>>, vector<1x512x128xf32>
    %get3A_406 = vector.shape_cast %get3A_405 : vector<1x512x128xf32> to vector<512x128xf32>
    %get3A_407 = arith.constant 0 : index
    %get3A_408 = arith.constant 24 : index
    %get3A_409 = vector.load %arg3[%get3A_407, %get3A_408] : memref<512x26xf32, #tpu.memory_space<vmem>>, vector<512x1xf32>
    %gt3A_410 = arith.constant 5.000000e-01 : f32
    %gt3A_411 = vector.broadcast %gt3A_410 : f32 to vector<512x1xf32>
    %gt3A_412 = arith.cmpf ogt, %get3A_409, %gt3A_411 : vector<512x1xf32>
    %slice3A_413 = vector.extract_strided_slice %get3A_406 {offsets = [0, 64], sizes = [512, 64], strides = [1, 1]} : vector<512x128xf32> to vector<512x64xf32>
    %slice3A_414 = vector.extract_strided_slice %get3A_406 {offsets = [0, 0], sizes = [512, 64], strides = [1, 1]} : vector<512x128xf32> to vector<512x64xf32>
    %broadcast_in_dim3A_415 = vector.shape_cast %gt3A_412 : vector<512x1xi1> to vector<512x1xi1>
    %broadcast_in_dim3A_416 = vector.broadcast %broadcast_in_dim3A_415 : vector<512x1xi1> to vector<512x64xi1>
    %select_n3A_417 = arith.select %broadcast_in_dim3A_416, %slice3A_413, %slice3A_414 : vector<512x64xi1>, vector<512x64xf32>
    %convert_element_type3A_418 = arith.truncf %select_n3A_417 : vector<512x64xf32> to vector<512x64xbf16>
    %get3A_419 = arith.constant 25 : index
    %get3A_420 = arith.constant 0 : index
    %get3A_421 = arith.constant 0 : index
    %get3A_422 = vector.load %arg2[%get3A_419, %get3A_420, %get3A_421] : memref<26x512x128xf32, #tpu.memory_space<vmem>>, vector<1x512x128xf32>
    %get3A_423 = vector.shape_cast %get3A_422 : vector<1x512x128xf32> to vector<512x128xf32>
    %get3A_424 = arith.constant 0 : index
    %get3A_425 = arith.constant 25 : index
    %get3A_426 = vector.load %arg3[%get3A_424, %get3A_425] : memref<512x26xf32, #tpu.memory_space<vmem>>, vector<512x1xf32>
    %gt3A_427 = arith.constant 5.000000e-01 : f32
    %gt3A_428 = vector.broadcast %gt3A_427 : f32 to vector<512x1xf32>
    %gt3A_429 = arith.cmpf ogt, %get3A_426, %gt3A_428 : vector<512x1xf32>
    %slice3A_430 = vector.extract_strided_slice %get3A_423 {offsets = [0, 64], sizes = [512, 64], strides = [1, 1]} : vector<512x128xf32> to vector<512x64xf32>
    %slice3A_431 = vector.extract_strided_slice %get3A_423 {offsets = [0, 0], sizes = [512, 64], strides = [1, 1]} : vector<512x128xf32> to vector<512x64xf32>
    %broadcast_in_dim3A_432 = vector.shape_cast %gt3A_429 : vector<512x1xi1> to vector<512x1xi1>
    %broadcast_in_dim3A_433 = vector.broadcast %broadcast_in_dim3A_432 : vector<512x1xi1> to vector<512x64xi1>
    %select_n3A_434 = arith.select %broadcast_in_dim3A_433, %slice3A_430, %slice3A_431 : vector<512x64xi1>, vector<512x64xf32>
    %convert_element_type3A_435 = arith.truncf %select_n3A_434 : vector<512x64xf32> to vector<512x64xbf16>
    %concatenate3A = tpu.concatenate %convert_element_type3A, %convert_element_type3A_27, %convert_element_type3A_44, %convert_element_type3A_61, %convert_element_type3A_78, %convert_element_type3A_95, %convert_element_type3A_112, %convert_element_type3A_129, %convert_element_type3A_146, %convert_element_type3A_163, %convert_element_type3A_180, %convert_element_type3A_197, %convert_element_type3A_214, %convert_element_type3A_231, %convert_element_type3A_248, %convert_element_type3A_265, %convert_element_type3A_282, %convert_element_type3A_299, %convert_element_type3A_316, %convert_element_type3A_333, %convert_element_type3A_350, %convert_element_type3A_367, %convert_element_type3A_384, %convert_element_type3A_401, %convert_element_type3A_418, %convert_element_type3A_435 in 1 : vector<512x64xbf16>, vector<512x64xbf16>, vector<512x64xbf16>, vector<512x64xbf16>, vector<512x64xbf16>, vector<512x64xbf16>, vector<512x64xbf16>, vector<512x64xbf16>, vector<512x64xbf16>, vector<512x64xbf16>, vector<512x64xbf16>, vector<512x64xbf16>, vector<512x64xbf16>, vector<512x64xbf16>, vector<512x64xbf16>, vector<512x64xbf16>, vector<512x64xbf16>, vector<512x64xbf16>, vector<512x64xbf16>, vector<512x64xbf16>, vector<512x64xbf16>, vector<512x64xbf16>, vector<512x64xbf16>, vector<512x64xbf16>, vector<512x64xbf16>, vector<512x64xbf16> -> vector<512x1664xbf16>
    %get3A_436 = arith.constant 0 : index
    %get3A_437 = arith.constant 0 : index
    %get3A_438 = vector.load %arg5[%get3A_436, %get3A_437] : memref<1664x1024xbf16, #tpu.memory_space<vmem>>, vector<1664x1024xbf16>
    %dot_general3A = arith.constant dense<0.000000e+00> : vector<512x1024xf32>
    %dot_general3A_439 = tpu.matmul %concatenate3A, %get3A_438, %dot_general3A {dimension_numbers = #tpu.dot_dimension_numbers<[1], [0], [0], [1], [0, 0, 1, 1], [], []>, transpose_lhs_hint = false} : vector<512x1664xbf16>, vector<1664x1024xbf16>, vector<512x1024xf32> -> vector<512x1024xf32>
    %get3A_440 = arith.constant 0 : index
    %get3A_441 = arith.constant 0 : index
    %get3A_442 = vector.load %arg1[%get3A_440, %get3A_441] : memref<512x13xbf16, #tpu.memory_space<vmem>>, vector<512x13xbf16>
    %get3A_443 = arith.constant 0 : index
    %get3A_444 = arith.constant 0 : index
    %get3A_445 = vector.load %arg4[%get3A_443, %get3A_444] : memref<13x1024xbf16, #tpu.memory_space<vmem>>, vector<13x1024xbf16>
    %dot_general3A_446 = arith.constant dense<0.000000e+00> : vector<512x1024xf32>
    %dot_general3A_447 = tpu.matmul %get3A_442, %get3A_445, %dot_general3A_446 {dimension_numbers = #tpu.dot_dimension_numbers<[1], [0], [0], [1], [0, 0, 1, 1], [], []>, transpose_lhs_hint = false} : vector<512x13xbf16>, vector<13x1024xbf16>, vector<512x1024xf32> -> vector<512x1024xf32>
    %add3A = arith.addf %dot_general3A_439, %dot_general3A_447 : vector<512x1024xf32>
    %get3A_448 = arith.constant 0 : index
    %get3A_449 = arith.constant 0 : index
    %get3A_450 = vector.load %arg6[%get3A_448, %get3A_449] : memref<1x1024xf32, #tpu.memory_space<vmem>>, vector<1x1024xf32>
    %add3A_451 = vector.broadcast %get3A_450 : vector<1x1024xf32> to vector<512x1024xf32>
    %add3A_452 = arith.addf %add3A, %add3A_451 : vector<512x1024xf32>
    %max3A = arith.constant 0.000000e+00 : f32
    %max3A_453 = vector.broadcast %max3A : f32 to vector<512x1024xf32>
    %max3A_454 = arith.maximumf %add3A_452, %max3A_453 : vector<512x1024xf32>
    %convert_element_type3A_455 = arith.truncf %max3A_454 : vector<512x1024xf32> to vector<512x1024xbf16>
    %get3A_456 = arith.constant 0 : index
    %get3A_457 = arith.constant 0 : index
    %get3A_458 = vector.load %arg7[%get3A_456, %get3A_457] : memref<1024x512xbf16, #tpu.memory_space<vmem>>, vector<1024x512xbf16>
    %dot_general3A_459 = arith.constant dense<0.000000e+00> : vector<512x512xf32>
    %dot_general3A_460 = tpu.matmul %convert_element_type3A_455, %get3A_458, %dot_general3A_459 {dimension_numbers = #tpu.dot_dimension_numbers<[1], [0], [0], [1], [0, 0, 1, 1], [], []>, transpose_lhs_hint = false} : vector<512x1024xbf16>, vector<1024x512xbf16>, vector<512x512xf32> -> vector<512x512xf32>
    %get3A_461 = arith.constant 0 : index
    %get3A_462 = arith.constant 0 : index
    %get3A_463 = vector.load %arg8[%get3A_461, %get3A_462] : memref<1x512xf32, #tpu.memory_space<vmem>>, vector<1x512xf32>
    %add3A_464 = vector.broadcast %get3A_463 : vector<1x512xf32> to vector<512x512xf32>
    %add3A_465 = arith.addf %dot_general3A_460, %add3A_464 : vector<512x512xf32>
    %max3A_466 = arith.constant 0.000000e+00 : f32
    %max3A_467 = vector.broadcast %max3A_466 : f32 to vector<512x512xf32>
    %max3A_468 = arith.maximumf %add3A_465, %max3A_467 : vector<512x512xf32>
    %convert_element_type3A_469 = arith.truncf %max3A_468 : vector<512x512xf32> to vector<512x512xbf16>
    %get3A_470 = arith.constant 0 : index
    %get3A_471 = arith.constant 0 : index
    %get3A_472 = vector.load %arg9[%get3A_470, %get3A_471] : memref<512x1xbf16, #tpu.memory_space<vmem>>, vector<512x1xbf16>
    %dot_general3A_473 = arith.constant dense<0.000000e+00> : vector<512x1xf32>
    %dot_general3A_474 = tpu.matmul %convert_element_type3A_469, %get3A_472, %dot_general3A_473 {dimension_numbers = #tpu.dot_dimension_numbers<[1], [0], [0], [1], [0, 0, 1, 1], [], []>, transpose_lhs_hint = false} : vector<512x512xbf16>, vector<512x1xbf16>, vector<512x1xf32> -> vector<512x1xf32>
    %get3A_475 = arith.constant 0 : index
    %get3A_476 = arith.constant 0 : index
    %get3A_477 = vector.load %arg10[%get3A_475, %get3A_476] : memref<1x1xf32, #tpu.memory_space<vmem>>, vector<1x1xf32>
    %add3A_478 = vector.broadcast %get3A_477 : vector<1x1xf32> to vector<512x1xf32>
    %add3A_479 = arith.addf %dot_general3A_474, %add3A_478 : vector<512x1xf32>
    %logistic3A = arith.negf %add3A_479 : vector<512x1xf32>
    %logistic3A_480 = math.exp %logistic3A : vector<512x1xf32>
    %logistic3A_481 = arith.constant 1.000000e+00 : f32
    %logistic3A_482 = vector.broadcast %logistic3A_481 : f32 to vector<512x1xf32>
    %logistic3A_483 = arith.addf %logistic3A_482, %logistic3A_480 : vector<512x1xf32>
    %logistic3A_484 = arith.divf %logistic3A_482, %logistic3A_483 : vector<512x1xf32>
    %swap3A = arith.constant 0 : index
    %swap3A_485 = arith.constant 0 : index
    %swap3A_486 = vector.load %arg11[%swap3A, %swap3A_485] : memref<512x1xf32, #tpu.memory_space<vmem>>, vector<512x1xf32>
    tpu.vector_store %arg11[%swap3A, %swap3A_485], %logistic3A_484 {strides = array<i32>} : memref<512x1xf32, #tpu.memory_space<vmem>>, vector<512x1xf32>,
    return
  }
  func.func @transform_0(%arg0: i32) -> (i32, i32) {
    %c0_i32 = arith.constant 0 : i32
    %c0_i32_0 = arith.constant 0 : i32
    return %arg0, %c0_i32 : i32, i32
  }
  func.func @transform_1(%arg0: i32) -> (i32, i32, i32) {
    %c0_i32 = arith.constant 0 : i32
    %c0_i32_0 = arith.constant 0 : i32
    %c0_i32_1 = arith.constant 0 : i32
    return %c0_i32, %arg0, %c0_i32_0 : i32, i32, i32
  }
  func.func @transform_2(%arg0: i32) -> (i32, i32) {
    %c0_i32 = arith.constant 0 : i32
    %c0_i32_0 = arith.constant 0 : i32
    return %arg0, %c0_i32 : i32, i32
  }
  func.func @transform_3(%arg0: i32) -> (i32, i32) {
    %c0_i32 = arith.constant 0 : i32
    %c0_i32_0 = arith.constant 0 : i32
    %c0_i32_1 = arith.constant 0 : i32
    return %c0_i32, %c0_i32_0 : i32, i32
  }
  func.func @transform_4(%arg0: i32) -> (i32, i32) {
    %c0_i32 = arith.constant 0 : i32
    %c0_i32_0 = arith.constant 0 : i32
    %c0_i32_1 = arith.constant 0 : i32
    return %c0_i32, %c0_i32_0 : i32, i32
  }
  func.func @transform_5(%arg0: i32) -> (i32, i32) {
    %c0_i32 = arith.constant 0 : i32
    %c0_i32_0 = arith.constant 0 : i32
    %c0_i32_1 = arith.constant 0 : i32
    return %c0_i32, %c0_i32_0 : i32, i32
  }
  func.func @transform_6(%arg0: i32) -> (i32, i32) {
    %c0_i32 = arith.constant 0 : i32
    %c0_i32_0 = arith.constant 0 : i32
    %c0_i32_1 = arith.constant 0 : i32
    return %c0_i32, %c0_i32_0 : i32, i32
  }
  func.func @transform_7(%arg0: i32) -> (i32, i32) {
    %c0_i32 = arith.constant 0 : i32
    %c0_i32_0 = arith.constant 0 : i32
    %c0_i32_1 = arith.constant 0 : i32
    return %c0_i32, %c0_i32_0 : i32, i32
  }
  func.func @transform_8(%arg0: i32) -> (i32, i32) {
    %c0_i32 = arith.constant 0 : i32
    %c0_i32_0 = arith.constant 0 : i32
    %c0_i32_1 = arith.constant 0 : i32
    return %c0_i32, %c0_i32_0 : i32, i32
  }
  func.func @transform_9(%arg0: i32) -> (i32, i32) {
    %c0_i32 = arith.constant 0 : i32
    %c0_i32_0 = arith.constant 0 : i32
    %c0_i32_1 = arith.constant 0 : i32
    return %c0_i32, %c0_i32_0 : i32, i32
  }
  func.func @transform_10(%arg0: i32) -> (i32, i32) {
    %c0_i32 = arith.constant 0 : i32
    %c0_i32_0 = arith.constant 0 : i32
    return %arg0, %c0_i32 : i32, i32
  }
}

</mosaic_0001>

<sc_bundles>
// kernel: kernel.4.cloned.1.call-start
scs
__scs_entry_jumppad:
0x0: {  	(pc) =	sbr.rel $0x88, $3  }
0x1: {  	(tag) =	ssettag $0x0;
	lr =	simm.s32 $0x1  }
0x2: {  	[smem:$0x3F98] =	sst lr;
	_ =	strace $0xD0000000  }
0x3: {  	_ = 	snop  }
0x4: {  	_ = 	snop  }
0x5: {  	_ = 	snop  }
0x6: {  	_ = 	snop  }
0x7: {  	_ = 	snop  }
__scs_overlays_trampoline_lowered:
0x8: {  	[smem:$0x3FA7] =	sst s0  }
0x9: {  	[smem:$0x3FA8] =	sst s1  }
0xa: {  	[smem:$0x3FA9] =	sst s2  }
0xb: {  	[smem:$0x3FAA] =	sst s3  }
0xc: {  	[smem:$0x3FAB] =	sst s4  }
0xd: {  	[smem:$0x3FAC] =	sst s5  }
0xe: {  	[smem:$0x3FAD] =	sst s6  }
0xf: {  	[smem:$0x3FAE] =	sst s7  }
0x10: {  	[smem:$0x3FAF] =	sst s8  }
0x11: {  	[smem:$0x3FB0] =	sst s9;
	s0 =	simm.s32 @!p0 $0x0  }
0x12: {  	s1 =	sld [smem:$0x3F96];
	s0 =	simm.s32 @p0 $0x1  }
0x13: {  	[smem:$0x3FB1] =	sst s0;
	s0 =	simm.s32 @!p1 $0x0  }
0x14: {  	s2 =	sld [smem:$0x3F95];
	s0 =	simm.s32 @p1 $0x1  }
0x15: {  	[smem:$0x3FB2] =	sst s0;
	s0 =	simm.s32 @!p2 $0x0  }
0x16: {  	s3 =	sld [smem:$0x3FDB];
	s0 =	simm.s32 @p2 $0x1  }
0x17: {  	s4 =	simm.s32 $0x1BF5;
	[smem:$0x3FB4] =	sst s0  }
0x18: {  	s0 =	sld [smem:$0x3F97];
	_ =	swait.ge [sflag:s4], $0x0  }
0x19: {  	s7 =	sld [smem:$0x3F98]  }
0x1a: {  	s8 =	sadd.s32 $0xFFFFE003, lr  }
0x1b: {  	s9 =	sadd.s32 $0xFFFFFEF7, lr;
	s5 =	simm.s32 $0xFFFFFFFF;
	p2 =	slt.u32 s8, $0xFFFFF086  }
0x1c: {  	p1 =	slt.u32 s9, $0xF7A;
	s5 =	simm.s32 @!p2 $0x0  }
0x1d: {  	s5 =	simm.s32 @p1 $0x1;
	p0 =	seq.s32 s7, s2  }
0x1e: {  	s7 =	smul.u32 @!p0 $0xF7A, s2;
	p2 =	seq.s32 @!p0 s5, $0x0  }
0x1f: {  	s9 =	smul.u32 $0xF7A, s1;
	s8 =	simm.s32 @!p0 $0x1BF5;
	p2 =	por !p2, p0  }
0x20: {  	[sflag:s8] =	ssyncset.s32 @!p0 $0xFFFFF086;
	s6 =	sadd.s32 @!p0 s3, s7;
	s7 =	simm.s32 @!p0 $0x108  }
0x21: {  	s3 =	sadd.s32 s3, s9;
	s6 =	sadd.s32 @!p0 $0x88, s6;
	s7 =	simm.s32 @p2 $0x1082  }
0x22: {  	[simem:s7], [sflag:s8] =	dma.local @!p0 [hbm:s6], $0xF7A  }
0x23: {  	s9 =	sor.u32 $0xD0000000, s2;
	s6 =	simm.s32 $0x108;
	_ =	swait.ge @!p0 [sflag:s8], $0x0  }
0x24: {  	s3 =	sadd.s32 $0x88, s3;
	s6 =	simm.s32 @!p1 $0x1082;
	[sflag:s4] =	ssyncset.s32 $0xFFFFF086  }
0x25: {  	[simem:s6], [sflag:s4] =	dma.local [hbm:s3], $0xF7A  }
0x26: {  	[smem:$0x3F98] =	sst s1;
	(tag) =	ssettag s2;
	_ =	strace s9  }
0x27: {  	s1 =	sld [smem:$0x3FA8]  }
0x28: {  	s2 =	sld [smem:$0x3FA9]  }
0x29: {  	s4 =	sld [smem:$0x3FAB]  }
0x2a: {  	p0 =	seq.s32 s5, $0x0;
	s5 =	sld [smem:$0x3FAC]  }
0x2b: {  	s6 =	sld [smem:$0x3FAD]  }
0x2c: {  	s7 =	sld [smem:$0x3FAE]  }
0x2d: {  	s3 =	simm.s32 $0x108;
	s8 =	sld [smem:$0x3FAF]  }
0x2e: {  	s3 =	simm.s32 @!p0 $0x1082;
	s9 =	sld [smem:$0x3FB0]  }
0x2f: {  	lr =	sadd.s32 s0, s3;
	s0 =	sld [smem:$0x3FA7]  }
0x30: {  	s3 =	sld [smem:$0x3FAA]  }
0x31: {  	[smem:$0x3FB3] =	sst s10  }
0x32: {  	s10 =	sld [smem:$0x3FB1];
	_ =	sdelay $0x3  }
0x33: {  	p0 =	seq.s32 s10, $0x1;
	s10 =	sld [smem:$0x3FB3];
	_ =	sdelay $0x3  }
0x34: {  	[smem:$0x3FB3] =	sst s10  }
0x35: {  	s10 =	sld [smem:$0x3FB2];
	_ =	sdelay $0x3  }
0x36: {  	p1 =	seq.s32 s10, $0x1;
	s10 =	sld [smem:$0x3FB3];
	_ =	sdelay $0x3  }
0x37: {  	[smem:$0x3FB3] =	sst s10  }
0x38: {  	s10 =	sld [smem:$0x3FB4]  }
0x39: {  	_ = 	snop;
	(pc) =	sbr.ind lr, $3  }
0x3a: {  	_ = 	snop  }
0x3b: {  	_ = 	snop  }
0x3c: {  	p2 =	seq.s32 s10, $0x1;
	s10 =	sld [smem:$0x3FB3]  }
0x3d: {  	_ =	shalt  }
0x3e: {  	_ =	shalt  }
0x3f: {  	_ =	shalt  }
0x40: {  	_ =	shalt  }
0x41: {  	_ =	shalt  }
0x42: {  	_ =	shalt  }
0x43: {  	_ =	shalt  }
0x44: {  	_ =	shalt  }
0x45: {  	_ =	shalt  }
0x46: {  	_ =	shalt  }
0x47: {  	_ =	shalt  }
0x48: {  	_ =	shalt  }
0x49: {  	_ =	shalt  }
0x4a: {  	_ =	shalt  }
0x4b: {  	_ =	shalt  }
0x4c: {  	_ =	shalt  }
0x4d: {  	_ =	shalt  }
0x4e: {  	_ =	shalt  }
0x4f: {  	_ =	shalt  }
0x50: {  	_ =	shalt  }
0x51: {  	_ =	shalt  }
0x52: {  	_ =	shalt  }
0x53: {  	_ =	shalt  }
0x54: {  	_ =	shalt  }
0x55: {  	_ =	shalt  }
0x56: {  	_ =	shalt  }
0x57: {  	_ =	shalt  }
0x58: {  	_ =	shalt  }
0x59: {  	_ =	shalt  }
0x5a: {  	_ =	shalt  }
0x5b: {  	_ =	shalt  }
0x5c: {  	_ =	shalt  }
0x5d: {  	_ =	shalt  }
0x5e: {  	_ =	shalt  }
0x5f: {  	_ =	shalt  }
0x60: {  	_ =	shalt  }
0x61: {  	_ =	shalt  }
0x62: {  	_ =	shalt  }
0x63: {  	_ =	shalt  }
0x64: {  	_ =	shalt  }
0x65: {  	_ =	shalt  }
0x66: {  	_ =	shalt  }
0x67: {  	_ =	shalt  }
0x68: {  	_ =	shalt  }
0x69: {  	_ =	shalt  }
0x6a: {  	_ =	shalt  }
0x6b: {  	_ =	shalt  }
0x6c: {  	_ =	shalt  }
0x6d: {  	_ =	shalt  }
0x6e: {  	_ =	shalt  }
0x6f: {  	_ =	shalt  }
0x70: {  	_ =	shalt  }
0x71: {  	_ =	shalt  }
0x72: {  	_ =	shalt  }
0x73: {  	_ =	shalt  }
0x74: {  	_ =	shalt  }
0x75: {  	_ =	shalt  }
0x76: {  	_ =	shalt  }
0x77: {  	_ =	shalt  }
0x78: {  	_ =	shalt  }
0x79: {  	_ =	shalt  }
0x7a: {  	_ =	shalt  }
0x7b: {  	_ =	shalt  }
0x7c: {  	_ =	shalt  }
0x7d: {  	_ =	shalt  }
0x7e: {  	_ =	shalt  }
0x7f: {  	_ =	shalt  }
0x80: {  	_ =	shalt  }
0x81: {  	_ =	shalt  }
0x82: {  	_ =	shalt  }
0x83: {  	_ =	shalt  }
0x84: {  	_ =	shalt  }
0x85: {  	_ =	shalt  }
0x86: {  	_ =	shalt  }
0x87: {  	_ =	shalt  }
.Lfunc_end0:
.L_simem_size_0:
called_computation_lowered:
.L_overlay_start_0:
0x88: {  	s2 =	sld [smem:$0x3FD9]  }
0x89: {  	s3 =	sld [smem:$0x3FFE];
	_ =	sdelay $0x1  }
0x8a: {  	s1 =	srdreg.scid  }
0x8b: {  	s0 =	sand.u32 $0x1, s1  }
0x8c: {  	s17 =	sshll.u32 s0, $0xA;
	s2 =	sadd.s32 s3, s2  }
0x8d: {  	s2 =	sadd.s32 s2, s17  }
0x8e: {  	[smem:$0x3FBF] =	sst s2  }
0x8f: {  	_ = 	snop  }
0x90: {  	s2 =	sld [smem:$0x3FC8];
	(tm) =	ssettm $0x1  }
0x91: {  	s18 =	sld [smem:$0x3FFB];
	_ =	sdelay $0x3  }
0x92: {  	_ =	strace s18  }
0x93: {  	s3 =	sld [smem:$0x3FFC];
	_ =	sdelay $0x3  }
0x94: {  	_ =	strace s3  }
0x95: {  	s3 =	sld [smem:$0x3FFD];
	_ =	sdelay $0x3  }
0x96: {  	_ =	strace s3  }
0x97: {  	_ =	strace $0x8FFFFFFF  }
0x98: {  	s19 =	sld [smem:$0x3FDB];
	_ =	sdelay $0x1  }
0x99: {  	s4 =	simm.s32 $_scs_section_size  }
0x9a: {  	s5 =	simm.s32 $_size__tile_overlayer_lowered;
	s6 =	simm.s32 $_tile_overlayer_lowered  }
0x9b: {  	s22 =	simm.s32 $0x1BFF;
	s21 =	sshll.u32 s6, $0x1;
	s3 =	sadd.s32 s4, s19  }
0x9c: {  	s7 =	simm.s32 $0x0;
	s20 =	sshll.u32 s5, $0x1;
	s5 =	sadd.s32 s21, s3  }
0x9d: {  	[timem:s7], [sflag:s22] =	dma.local [hbm:s5], s20  }
0x9e: {  	_ =	swait.ge [sflag:s22], s20  }
0x9f: {  	s4 =	ssub.s32 $0x0, s20;
	[sflag:s22] =	ssyncset.done $0x0  }
0xa0: {  	[sflag:s22] =	ssyncadd.s32 s4;
	_ =	sdelay $0x1  }
0xa1: {  	s23 =	simm.s32 $0x1B8B  }
0xa2: {  	_ =	swait.ge [sflag:s23], $0x1  }
0xa3: {  	[sflag:s23] =	ssyncset.done $0x0  }
0xa4: {  	s25 =	simm.s32 $0x1B8E;
	s24 =	sld [smem:$0x3FFE];
	[sflag:s23] =	ssyncadd.s32 $0xFFFFFFFF  }
0xa5: {  	s26 =	simm.s32 $execute0_lowered;
	[smem:$0x3FD2] =	sst s25  }
0xa6: {  	s5 =	sshll.u32 s26, $0x1;
	_ =	strace $0x80000046;
	[dreg:$0x1] =	wrdreg $0xFFFFFFFF  }
0xa7: {  	s28 =	simm.s32 $_size_execute0_lowered;
	s3 =	sadd.s32 s3, s5;
	[dreg:$0x0] =	wrdreg $0x0  }
0xa8: {  	s5 =	sshll.u32 s28, $0x1;
	[dreg:$0x2] =	wrdreg s3  }
0xa9: {  	[dreg:$0x3] =	wrdreg s5  }
0xaa: {  	[dreg:$0x4] =	wrdreg $0xC0  }
0xab: {  	_ =	task [dreg:s7], $0x5FFFF  }
0xac: {  	[dreg:$0x1] =	wrdreg $0xFFFFFFFF  }
0xad: {  	[dreg:$0x0] =	wrdreg $0x60  }
0xae: {  	[dreg:$0x2] =	wrdreg s2  }
0xaf: {  	[dreg:$0x3] =	wrdreg s24  }
0xb0: {  	[dreg:$0x4] =	wrdreg $0x9  }
0xb1: {  	_ =	task.clear_ibuf [dreg:s7], $0x5FFFF;
	_ =	strace $0x90000046  }
0xb2: {  	s29 =	simm.s32 $0x9;
	_ =	strace $0x80000048  }
0xb3: {  	_ =	swait.ge [sflag:s29], $0x1  }
0xb4: {  	[sflag:s29] =	ssyncadd.s32 $0xFFFFFFFF  }
0xb5: {  	_ =	strace $0x90000048  }
0xb6: {  	_ =	sfence  }
0xb7: {  	s30 =	sld [smem:$0x0];
	_ =	sdelay $0x2  }
0xb8: {  	s31 =	sshll.u32 s1, $0xD;
	s1 =	sshrl.u32 s1, $0x2  }
0xb9: {  	s3 =	sand.u32 $0x4000, s31;
	s1 =	sadd.s32 s1, s30  }
0xba: {  	s0 =	sor.u32 s3, s0;
	s1 =	sshll.u32 s1, $0x11  }
0xbb: {  	s0 =	sor.u32 s1, s0  }
0xbc: {  	s0 =	sadd.s32 $0x8F2B, s0  }
0xbd: {  	[sflag:s0] =	ssyncadd.remote.s32 $0x1  }
0xbe: {  	_ =	sfence.sel $0xFFFF  }
0xbf: {  	[dreg:$0x0] =	wrdreg $0xFFFFFFFF;
	(pc) =	sbr.abs _section_cstart, $3  }
0xc0: {  	[dreg:$0x1] =	wrdreg $0xFFFFFFFF  }
0xc1: {  	_ =	task.clear_ibuf [dreg:s7], $0x2FFFF;
	_ =	strace $0x9FFFFFFF  }
0xc2: {  	(tm) =	ssettm $0x7FFFFFFF  }
0xc3: {  	_ =	shalt  }
tec
execute0_lowered:
.L_overlay_start_1:
0x0: {  	(tag) =	ssettag $0x1  }
0x1: {  	s6 =	rddreg [dreg:$0x0]  }
0x2: {  	s5 =	rddreg [dreg:$0x1]  }
0x3: {  	s0 =	rddreg [dreg:$0x2];
	s2 =	simm.s32 $0x0  }
0x4: {  	s3 =	srdreg.scid;
	s1 =	stileid.u32;
	s10 =	simm.s32 $0x5  }
0x5: {  	s11 =	simm.s32 $0x80;
	s12 =	simm.s32 $0x4000;
	s13 =	simm.s32 $0x3  }
0x6: {  	s14 =	simm.s32 $0x4;
	s15 =	simm.s32 $0x0;
	[smem:$0x7FF] =	sst s2  }
.Ltmp0:
0x7: {  	s3 =	sand.u32 $0x1, s3;
	s8 =	sshll.u32 s1, $0x9;
	(pc) =	sbr.rel .LBB2_1-.Ltmp0, $4  }
0x8: {  	_ =	strace $0x80000047;
	s7 =	ssub.s32 $0x2, s3;
	s4 =	sshll.u32 s3, $0xD  }
0x9: {  	s3 =	sadd.s32 $0x27AD600, s5;
	s5 =	sadd.s32 $0x1200, s5;
	s9 =	sshrl.u32 s7, $0x1  }
0xa: {  	s4 =	sor.u32 s8, s4;
	s8 =	simm.s32 $0x1000;
	s7 =	ssub.s32 s7, s9  }
0xb: {  	s6 =	sadd.s32 s6, s4;
	s9 =	simm.s32 $0x20000;
	s7 =	smax.u32 s7, $0x1  }
.LBB2_9:
0xc: {  	s15 =	sadd.s32 $0x1, s15  }
0xd: {  	_ =	swait.ge [sflag:s13], $0x4000;
	p0 =	sne.s32 s15, s7  }
.Ltmp1:
0xe: {  	[sflag:s13] =	ssyncset.done $0x0;
	(pc) =	sbr.rel @!p0 .LBB2_10-.Ltmp1, $4  }
0xf: {  	[sflag:s13] =	ssyncadd.s32 $0xFFFFC000  }
0x10: {  	_ =	swait.ge [sflag:s14], $0x4000  }
0x11: {  	[sflag:s14] =	ssyncset.done $0x0  }
0x12: {  	[sflag:s14] =	ssyncadd.s32 $0xFFFFC000  }
.LBB2_1:
0x13: {  	[tilespmem:s2], [sflag:$0x5] =	stream.strided.gather [hbm4b:s6+s8], $0x4000, s9, s8, $0x38;
	[tilespmem:$0xC000] =	vst v63  }
0x14: {  	_ =	swait.ge [sflag:s10], $0x4000  }
0x15: {  	s16 =	sand.u32 $0x70, s2;
	s17 =	sand.u32 $0xC00, s2;
	[sflag:s10] =	ssyncset.done $0x0  }
0x16: {  	s16 =	sor.u32 s16, s17;
	[sflag:s10] =	ssyncadd.s32 $0xFFFFC000  }
0x17: {  	v0 =	vld [tilespmem:s16+$0x300]  }
0x18: {  	v1 =	vld [tilespmem:s16+$0x200]  }
0x19: {  	v2 =	vld [tilespmem:s16+$0x280]  }
0x1a: {  	v3 =	vld [tilespmem:s16+$0x180]  }
0x1b: {  	v4 =	vld [tilespmem:s16+$0x100]  }
0x1c: {  	v5 =	vld [tilespmem:s16+$0x80];
	v0 =	vshrl.u32 v0, $0x1  }
0x1d: {  	v6 =	vld [tilespmem:s16+$0x0];
	v1 =	vshrl.u32 v1, $0x1;
	[tilespmem:s16+$0x300] =	vst v0  }
0x1e: {  	v59 =	vshrl.u32 v2, $0x1;
	[tilespmem:s16+$0x200] =	vst v1  }
0x1f: {  	v60 =	vshrl.u32 v3, $0x1;
	[tilespmem:s16+$0x280] =	vst v59  }
0x20: {  	v61 =	vshrl.u32 v4, $0x1;
	[tilespmem:s16+$0x180] =	vst v60  }
0x21: {  	v62 =	vshrl.u32 v5, $0x1;
	[tilespmem:s16+$0x100] =	vst v61  }
0x22: {  	s31 =	sor.u32 s2, s2;
	v63 =	vshrl.u32 v6, $0x1;
	[tilespmem:s16+$0x80] =	vst v62  }
0x23: {  	s18 =	sor.u32 $0x380, s31;
	[tilespmem:s16+$0x0] =	vst v63  }
0x24: {  	v0 =	vld [tilespmem:s18+$0x0];
	_ =	sdelay $0x4  }
0x25: {  	v0 =	vshrl.u32 v0, $0x1  }
0x26: {  	s17 =	simm.s32 $0x10;
	[tilespmem:s18+$0x0] =	vst v0;
	s18 =	simm.s32 $0x0  }
.LBB2_2:
0x27: {  	p0 =	sne.s32 s17, $0x1F0  }
0x28: {  	v0 =	vld [tilespmem:s16+$0x3080];
	s18 =	sadd.s32 $0x80, s18;
	s19 =	smov.u32 s17;
	s17 =	sadd.s32 $0x10, s17  }
0x29: {  	v1 =	vld [tilespmem:s16+$0x1180]  }
0x2a: {  	v2 =	vld [tilespmem:s16+$0x2380]  }
0x2b: {  	v3 =	vld [tilespmem:s16+$0x2180]  }
0x2c: {  	v4 =	vld [tilespmem:s16+$0x3000]  }
0x2d: {  	v5 =	vld [tilespmem:s16+$0x1200];
	v0 =	vshrl.u32 v0, $0x1  }
0x2e: {  	v1 =	vshrl.u32 v1, $0x1;
	v6 =	vld [tilespmem:s16+$0x2300];
	[tilespmem:s16+$0x3080] =	vst v0  }
0x2f: {  	v0 =	vld [tilespmem:s16+$0x1000];
	[tilespmem:s16+$0x1180] =	vst v1;
	v1 =	vshrl.u32 v2, $0x1  }
0x30: {  	v2 =	vld [tilespmem:s16+$0x1100];
	[tilespmem:s16+$0x2380] =	vst v1  }
0x31: {  	v1 =	vld [tilespmem:s16+$0x2280];
	v4 =	vshrl.u32 v4, $0x1  }
0x32: {  	v7 =	vld [tilespmem:s16+$0x1080];
	v5 =	vshrl.u32 v5, $0x1;
	[tilespmem:s16+$0x3000] =	vst v4  }
0x33: {  	[tilespmem:s16+$0x1200] =	vst v5;
	v4 =	vld [tilespmem:s16+$0x1380];
	v5 =	vshrl.u32 v6, $0x1  }
0x34: {  	v0 =	vshrl.u32 v0, $0x1;
	v6 =	vld [tilespmem:s16+$0x2200];
	[tilespmem:s16+$0x2300] =	vst v5  }
0x35: {  	[tilespmem:s16+$0x1000] =	vst v0;
	v0 =	vshrl.u32 v2, $0x1;
	v2 =	vld [tilespmem:s16+$0x1300]  }
0x36: {  	[tilespmem:s16+$0x1100] =	vst v0;
	v0 =	vld [tilespmem:s16+$0x2100];
	v1 =	vshrl.u32 v1, $0x1  }
0x37: {  	v5 =	vshrl.u32 v7, $0x1;
	v7 =	vld [tilespmem:s16+$0x2080];
	[tilespmem:s16+$0x2280] =	vst v1  }
0x38: {  	[tilespmem:s16+$0x1080] =	vst v5;
	v1 =	vshrl.u32 v4, $0x1;
	v4 =	vld [tilespmem:s16+$0x2000]  }
0x39: {  	s20 =	sand.u32 $0x70, s19;
	s21 =	sand.u32 $0xC00, s18;
	v5 =	vld [tilespmem:s16+$0x1280];
	[tilespmem:s16+$0x1380] =	vst v1;
	v1 =	vshrl.u32 v6, $0x1  }
0x3a: {  	s20 =	sor.u32 s20, s21;
	v2 =	vshrl.u32 v2, $0x1;
	[tilespmem:s16+$0x2200] =	vst v1  }
0x3b: {  	v1 =	vld [tilespmem:s20+$0x300];
	[tilespmem:s16+$0x1300] =	vst v2;
	v0 =	vshrl.u32 v0, $0x1;
	v2 =	vshrl.u32 v3, $0x1  }
0x3c: {  	v3 =	vld [tilespmem:s20+$0x200];
	v6 =	vshrl.u32 v7, $0x1;
	[tilespmem:s16+$0x2100] =	vst v0  }
0x3d: {  	v0 =	vld [tilespmem:s20+$0x280];
	v4 =	vshrl.u32 v4, $0x1;
	[tilespmem:s16+$0x2180] =	vst v2  }
0x3e: {  	v2 =	vld [tilespmem:s20+$0x180];
	v5 =	vshrl.u32 v5, $0x1;
	[tilespmem:s16+$0x2000] =	vst v4  }
0x3f: {  	v4 =	vld [tilespmem:s20+$0x100];
	[tilespmem:s16+$0x1280] =	vst v5  }
0x40: {  	v5 =	vld [tilespmem:s20+$0x80];
	v1 =	vshrl.u32 v1, $0x1;
	[tilespmem:s16+$0x2080] =	vst v6;
	s16 =	smov.u32 s20  }
0x41: {  	v6 =	vld [tilespmem:s16+$0x0];
	v3 =	vshrl.u32 v3, $0x1;
	[tilespmem:s16+$0x300] =	vst v1  }
0x42: {  	[tilespmem:s16+$0x200] =	vst v3;
	v0 =	vshrl.u32 v0, $0x1  }
0x43: {  	v1 =	vshrl.u32 v2, $0x1;
	[tilespmem:s16+$0x280] =	vst v0  }
0x44: {  	v0 =	vshrl.u32 v4, $0x1;
	[tilespmem:s16+$0x180] =	vst v1  }
0x45: {  	v1 =	vshrl.u32 v5, $0x1;
	[tilespmem:s16+$0x100] =	vst v0  }
0x46: {  	s19 =	sor.u32 s18, s19;
	v0 =	vshrl.u32 v6, $0x1;
	[tilespmem:s16+$0x80] =	vst v1  }
0x47: {  	s19 =	sor.u32 $0x380, s19;
	[tilespmem:s16+$0x0] =	vst v0  }
0x48: {  	v0 =	vld [tilespmem:s19+$0x0];
	_ =	sdelay $0x1  }
.Ltmp2:
0x49: {  	(pc) =	sbr.rel @p0 .LBB2_2-.Ltmp2, $3  }
0x4a: {  	_ =	sdelay $0x1  }
0x4b: {  	v0 =	vshrl.u32 v0, $0x1  }
0x4c: {  	[tilespmem:s19+$0x0] =	vst v0  }
0x4d: {  	v0 =	vld [tilespmem:s16+$0x3080]  }
0x4e: {  	v1 =	vld [tilespmem:s16+$0x1180]  }
0x4f: {  	v2 =	vld [tilespmem:s16+$0x2380]  }
0x50: {  	v4 =	vld [tilespmem:s16+$0x3000]  }
0x51: {  	v5 =	vld [tilespmem:s16+$0x1200]  }
0x52: {  	v6 =	vld [tilespmem:s16+$0x2300];
	v0 =	vshrl.u32 v0, $0x1  }
0x53: {  	v47 =	vld [tilespmem:s16+$0x1000];
	v46 =	vshrl.u32 v1, $0x1;
	[tilespmem:s16+$0x3080] =	vst v0  }
0x54: {  	v49 =	vld [tilespmem:s16+$0x1100];
	v48 =	vshrl.u32 v2, $0x1;
	[tilespmem:s16+$0x1180] =	vst v46  }
0x55: {  	v7 =	vld [tilespmem:s16+$0x1080];
	v4 =	vshrl.u32 v4, $0x1;
	[tilespmem:s16+$0x2380] =	vst v48  }
0x56: {  	v53 =	vld [tilespmem:s16+$0x2200];
	v5 =	vshrl.u32 v5, $0x1;
	[tilespmem:s16+$0x3000] =	vst v4  }
0x57: {  	v55 =	vld [tilespmem:s16+$0x1300];
	v52 =	vshrl.u32 v6, $0x1;
	[tilespmem:s16+$0x1200] =	vst v5  }
0x58: {  	v3 =	vld [tilespmem:s16+$0x2180];
	v1 =	vshrl.u32 v47, $0x1;
	[tilespmem:s16+$0x2300] =	vst v52  }
0x59: {  	v59 =	vld [tilespmem:s16+$0x1280];
	v54 =	vshrl.u32 v49, $0x1;
	[tilespmem:s16+$0x1000] =	vst v1  }
0x5a: {  	v57 =	vld [tilespmem:s16+$0x2080];
	v7 =	vshrl.u32 v7, $0x1;
	[tilespmem:s16+$0x1100] =	vst v54  }
0x5b: {  	v50 =	vld [tilespmem:s16+$0x2280];
	v60 =	vshrl.u32 v53, $0x1;
	[tilespmem:s16+$0x1080] =	vst v7  }
0x5c: {  	v51 =	vld [tilespmem:s16+$0x1380];
	v2 =	vshrl.u32 v55, $0x1;
	[tilespmem:s16+$0x2200] =	vst v60  }
0x5d: {  	v56 =	vld [tilespmem:s16+$0x2100];
	v61 =	vshrl.u32 v3, $0x1;
	[tilespmem:s16+$0x1300] =	vst v2  }
0x5e: {  	v58 =	vld [tilespmem:s16+$0x2000];
	v62 =	vshrl.u32 v59, $0x1;
	[tilespmem:s16+$0x2180] =	vst v61  }
0x5f: {  	v63 =	vshrl.u32 v57, $0x1;
	[tilespmem:s16+$0x1280] =	vst v62  }
0x60: {  	v0 =	vshrl.u32 v50, $0x1;
	[tilespmem:s16+$0x2080] =	vst v63  }
.Ltmp3:
0x61: {  	v4 =	vshrl.u32 v51, $0x1;
	[tilespmem:s16+$0x2280] =	vst v0;
	(pc) =	sbr.rel .LBB2_4-.Ltmp3, $4  }
0x62: {  	v1 =	vshrl.u32 v56, $0x1;
	[tilespmem:s16+$0x1380] =	vst v4  }
0x63: {  	s17 =	simm.s32 $0x1;
	[tilespmem:s16+$0x2100] =	vst v1;
	v0 =	vshrl.u32 v58, $0x1  }
0x64: {  	s18 =	simm.s32 $0x400;
	s19 =	simm.s32 $0x0;
	[tilespmem:s16+$0x2000] =	vst v0;
	s16 =	simm.s32 $0x0  }
0x65: {  	[tilespmem:s12], [sflag:$0x1] =	stream.indirect.gather [hbm4b:s3+s11], $0x80, s16, s11, $0xb8;
	[tilespmem:$0xC000] =	vst v63  }
.LBB2_7:
0x66: {  	s22 =	sshrl.u32 s17, $0x2  }
0x67: {  	s23 =	sshll.u32 s17, $0x7;
	s24 =	sand.u32 $0xC00, s18;
	s25 =	sshll.u32 s17, $0x5  }
0x68: {  	s30 =	sshll.u32 s21, $0xE;
	s23 =	sand.u32 $0x7000, s23;
	s22 =	smul.u32 $0xC3500, s22  }
0x69: {  	s31 =	sadd.s32 $0x1, s21;
	s29 =	sand.u32 $0x380, s25;
	s23 =	sor.u32 s24, s23  }
0x6a: {  	s24 =	sadd.s32 $0x4000, s30;
	s23 =	sor.u32 s29, s23;
	s22 =	sadd.s32 s3, s22  }
0x6b: {  	[tilespmem:s24], [sflag:s31] =	stream.indirect.gather [hbm4b:s22+s11], $0x80, s23, s11, $0xb8;
	[tilespmem:$0xC000] =	vst v63  }
.LBB2_8:
0x6c: {  	s21 =	sadd.s32 $0x1, s20  }
0x6d: {  	s22 =	sand.u32 $0x180, s19;
	s30 =	sand.u32 $0x7C0000, s16;
	s17 =	sadd.s32 $0x1, s17  }
0x6e: {  	s23 =	sshll.u32 s20, $0xE;
	s31 =	sadd.s32 $0x3, s20;
	p0 =	sne.s32 s17, $0x69  }
.Ltmp4:
0x6f: {  	s18 =	sadd.s32 $0x400, s18;
	_ =	swait.ge [sflag:s21], $0x4000;
	(pc) =	sbr.rel @!p0 .LBB2_9-.Ltmp4, $4  }
0x70: {  	s19 =	sadd.s32 $0x80, s19;
	s22 =	sor.u32 s4, s22;
	[sflag:s21] =	ssyncset.done $0x0  }
0x71: {  	s22 =	sshll.u32 s22, $0x4;
	[sflag:s21] =	ssyncadd.s32 $0xFFFFC000;
	s21 =	sadd.s32 s5, s30  }
0x72: {  	s16 =	sadd.s32 $0x10000, s16;
	s23 =	sadd.s32 $0x4000, s23;
	s21 =	sadd.s32 s22, s21  }
0x73: {  	[hbm4b:s21+s2] =	stream.linear.scatter [tilespmem:s23], [sflag:s31], $0x4000, $0x38;
	[tilespmem:$0xC000] =	vst v63  }
.LBB2_4:
0x74: {  	s22 =	sadd.s32 $0xFFFFFFFF, s17  }
0x75: {  	p0 =	seq.s32 s22, $0x0  }
.Ltmp5:
0x76: {  	_ = 	snop;
	(pc) =	sbr.rel @p0 .LBB2_7-.Ltmp5, $3  }
0x77: {  	_ =	sdelay $0x1  }
0x78: {  	s20 =	sand.u32 $0x1, s22  }
0x79: {  	s21 =	sxor.u32 $0x1, s20  }
0x7a: {  	p0 =	seq.s32 s22, $0x67  }
.Ltmp6:
0x7b: {  	_ = 	snop;
	(pc) =	sbr.rel @p0 .LBB2_8-.Ltmp6, $1  }
0x7c: {  	_ =	sdelay $0x3  }
.Ltmp7:
0x7d: {  	(pc) =	sbr.rel .LBB2_7-.Ltmp7, $4  }
0x7e: {  	s22 =	sadd.s32 $0x3, s21  }
0x7f: {  	_ =	swait.ge [sflag:s22], $0x4000  }
0x80: {  	[sflag:s22] =	ssyncset.done $0x0  }
0x81: {  	[sflag:s22] =	ssyncadd.s32 $0xFFFFC000  }
.LBB2_10:
0x82: {  	_ =	sfence.sel $0x180000  }
0x83: {  	[bflag:$0x0] =	sbarrier.arrive $0xFFFF  }
0x84: {  	p0 =	sne.s32 s1, $0x0;
	_ =	strace $0x90000047  }
0x85: {  	s0 =	sadd.s32 @!p0 $0x100000, s0;
	[bflag:$0x2] =	sbarrier.arrive $0xFFFF  }
0x86: {  	[sflag:s0] =	ssyncadd.tile.s32 @!p0 $0x1;
	_ =	shalt  }
.Lfunc_end2:
_tile_overlayer_lowered:
.L_overlay_start_2:
0x87: {  	(tag) =	ssettag $0x2  }
0x88: {  	s0 =	rddreg [dreg:$0x0];
	s2 =	stileid.u32  }
0x89: {  	s1 =	rddreg [dreg:$0x1];
	p0 =	sne.s32 s2, $0x0  }
0x8a: {  	s3 =	rddreg [dreg:$0x2];
	[bflag:$0x3] =	sbarrier.arrive $0xFFFF;
	s2 =	simm.s32 @!p0 $0x1C05  }
0x8b: {  	[timem:s3], [sflag:s2] =	dma.local @!p0 [hbm:s0], s1  }
0x8c: {  	s0 =	simm.s32 @!p0 $0x5  }
0x8d: {  	_ =	swait.ge @!p0 [sflag:s0], s1  }
0x8e: {  	s1 =	ssub.s32 @!p0 $0x0, s1;
	[sflag:s0] =	ssyncset.done @!p0 $0x0  }
0x8f: {  	[sflag:s0] =	ssyncadd.s32 @!p0 s1  }
0x90: {  	[bflag:$0x3] =	sbarrier.arrive $0xFFFF  }
0x91: {  	_ =	shalt  }

</sc_bundles>
